<compile_context>
chip_gen: v7x
topology: tpu7x:2x2x1
jax: 0.10.2.dev20260603
libtpu: 0.0.44.dev20260713+nightly
codegen_flags: <defaults>
</compile_context>

<pallas_src>
import jax
import jax.numpy as jnp
from jax import lax
from jax.experimental import pallas as pl
from jax.experimental.pallas import tpu as pltpu
from jax.experimental.pallas import tpu_sc as plsc

N = 10000
E = 160000
D = 256
HALF = 128
CHUNK = 80
CHUNKS_PER_TILE = E // CHUNK // 16
ROW_CHUNKS = N // CHUNK
N_HIDDEN = 3
INV_SQRT2 = 0.7071067811865475
NBUF = 3


def _silu(v):
    return v / (1.0 + jnp.exp(-v))



def _edge_body(rbf_t_ref, ea_ref, wro_ref, wdr_ref, xm_ref):
    rbf_blk = rbf_t_ref[...].T
    emb = jnp.dot(rbf_blk, wro_ref[...], preferred_element_type=jnp.float32)
    emb = jnp.dot(emb, wdr_ref[...], preferred_element_type=jnp.float32)
    prod = ea_ref[...] * emb
    xm_ref[0] = prod[:, :HALF]
    xm_ref[1] = prod[:, HALF:]


def _edge_stage(rbf_t, edge_attr, W_rbf_out, W_dense_rbf):
    blk = 6400
    grid = E // blk
    return pl.pallas_call(
        _edge_body,
        grid=(grid,),
        in_specs=[
            pl.BlockSpec((16, blk), lambda i: (0, i)),
            pl.BlockSpec((blk, D), lambda i: (i, 0)),
            pl.BlockSpec((16, 16), lambda i: (0, 0)),
            pl.BlockSpec((16, D), lambda i: (0, 0)),
        ],
        out_specs=pl.BlockSpec((2, blk, HALF), lambda i: (0, i, 0)),
        out_shape=jax.ShapeDtypeStruct((2, E, HALF), jnp.float32),
    )(rbf_t, edge_attr, W_rbf_out, W_dense_rbf)



def _scatter_body(xm_hbm, dst_hbm, out_hbm, dst_v, xm_buf, accum, sems):
    c = lax.axis_index("c")
    s = lax.axis_index("s")

    zero_buf = xm_buf.at[0]
    zeros16 = jnp.zeros((16,), jnp.float32)

    def _zrow(i, carry):
        for j in range(HALF // 16):
            zero_buf[i, pl.ds(j * 16, 16)] = zeros16
        return carry

    lax.fori_loop(0, CHUNK, _zrow, 0)

    for k in range(8):
        idx = s + 16 * k

        @pl.when(idx < ROW_CHUNKS)
        def _():
            pltpu.sync_copy(zero_buf, accum.at[pl.ds(idx * CHUNK, CHUNK)])

    plsc.subcore_barrier()

    pltpu.sync_copy(dst_hbm.at[s], dst_v)

    def _load(j, b):
        g = s * CHUNKS_PER_TILE + j
        row0 = pl.multiple_of(g * CHUNK, CHUNK)
        return pltpu.make_async_copy(
            xm_hbm.at[c, pl.ds(row0, CHUNK)], xm_buf.at[b], sems.at[b])

    for b in range(NBUF):
        _load(b, b).start()

    def _hyper(g, carry):
        for b in range(NBUF):
            j = g * NBUF + b

            @pl.when(j < CHUNKS_PER_TILE)
            def _():
                _load(j, b).wait()
                pltpu.sync_copy(xm_buf.at[b], accum.at[dst_v.at[j]], add=True)

                @pl.when(j + NBUF < CHUNKS_PER_TILE)
                def _():
                    _load(j + NBUF, b).start()
        return carry

    lax.fori_loop(0, (CHUNKS_PER_TILE + NBUF - 1) // NBUF, _hyper, 0)

    plsc.subcore_barrier()

    for k in range(8):
        idx = s + 16 * k

        @pl.when(idx < ROW_CHUNKS)
        def _():
            row0 = pl.multiple_of(idx * CHUNK, CHUNK)
            pltpu.sync_copy(
                accum.at[pl.ds(row0, CHUNK)],
                out_hbm.at[c, pl.ds(row0, CHUNK)],
            )


def _scatter_stage(xm, dst3d):
    mesh = plsc.VectorSubcoreMesh(core_axis_name="c", subcore_axis_name="s")
    f = pl.kernel(
        _scatter_body,
        out_type=jax.ShapeDtypeStruct((2, N, HALF), jnp.float32),
        mesh=mesh,
        scratch_types=[
            pltpu.VMEM((CHUNKS_PER_TILE, CHUNK), jnp.int32),
            pltpu.VMEM((NBUF, CHUNK, HALF), jnp.float32),
            pltpu.VMEM_SHARED((N, HALF), jnp.float32),
            pltpu.SemaphoreType.DMA((NBUF,)),
        ],
    )
    return f(xm, dst3d)



def _mlp_body(xe_ref, w1_ref, wres_ref, wout_ref, out_ref):
    z = (jnp.dot(xe_ref[0], w1_ref[:HALF, :], preferred_element_type=jnp.float32)
         + jnp.dot(xe_ref[1], w1_ref[HALF:, :], preferred_element_type=jnp.float32))
    h = _silu(z)
    for i in range(N_HIDDEN):
        t = _silu(jnp.dot(h, wres_ref[i, 0], preferred_element_type=jnp.float32))
        t = _silu(jnp.dot(t, wres_ref[i, 1], preferred_element_type=jnp.float32))
        h = (h + t) * INV_SQRT2
    out_ref[...] = jnp.dot(h, wout_ref[...], preferred_element_type=jnp.float32)


def _mlp_stage(xe, W1, W_res, W_out):
    blk = 1000
    grid = N // blk
    return pl.pallas_call(
        _mlp_body,
        grid=(grid,),
        in_specs=[
            pl.BlockSpec((2, blk, HALF), lambda i: (0, i, 0)),
            pl.BlockSpec((D, D), lambda i: (0, 0)),
            pl.BlockSpec((N_HIDDEN, 2, D, D), lambda i: (0, 0, 0, 0)),
            pl.BlockSpec((D, 1), lambda i: (0, 0)),
        ],
        out_specs=pl.BlockSpec((blk, 1), lambda i: (i, 0)),
        out_shape=jax.ShapeDtypeStruct((N, 1), jnp.float32),
    )(xe, W1, W_res, W_out)


def kernel(x, edge_attr, edge_index, rbf, y, W_rbf_out, W_dense_rbf, W1, W_res, W_out):
    xm = _edge_stage(rbf.T, edge_attr, W_rbf_out, W_dense_rbf)
    dst3d = edge_index[1].reshape(16, CHUNKS_PER_TILE, CHUNK)
    xe = _scatter_stage(xm, dst3d)
    e_out = _mlp_stage(xe, W1, W_res, W_out)
    return (e_out, y)

# --- scband reference (transcript-rebuilt; emitter-appended) ---
"""Pipeline reference for scband-gem-net-graph-head-68891275428270 (READ-ONLY COPY).

The authoritative reference and input builder live on the scoring server;
editing this copy changes nothing except your own understanding.
"""

import jax, jax.numpy as jnp
import numpy as np

N = 10000
E = 160000
D_ATOM = 256
D_EDGE = 256
D_RBF = 16
NUM_RADIAL = 16
N_HIDDEN = 3
INV_SQRT2 = 1.0 / np.sqrt(2.0)

def _init_w(key, shape):
    # stand-in for HeOrthogonal init: scaled normal
    return jax.random.normal(key, shape, dtype=jnp.float32) * (1.0 / np.sqrt(shape[0]))

def setup_inputs(seed: int = 0) -> dict:
    key = jax.random.key(seed)
    ks = jax.random.split(key, 12)
    x = jax.random.normal(ks[0], (N, D_ATOM), dtype=jnp.float32)
    edge_attr = jax.random.normal(ks[1], (E, D_EDGE), dtype=jnp.float32)
    edge_index = jax.random.randint(ks[2], (2, E), 0, N, dtype=jnp.int32)
    rbf = jax.random.uniform(ks[3], (E, NUM_RADIAL), dtype=jnp.float32)
    y = jax.random.normal(ks[4], (1,), dtype=jnp.float32)
    # learned parameters
    W_rbf_out = _init_w(ks[5], (NUM_RADIAL, D_RBF))        # mlp_rbf_out (Dense, no bias)
    W_dense_rbf = _init_w(ks[6], (D_RBF, D_EDGE))          # OutputBlock.dense_rbf (no bias)
    W1 = _init_w(ks[7], (D_EDGE, D_ATOM))                  # seq_energy first Dense (no bias)
    W_res = _init_w(ks[8], (N_HIDDEN, 2, D_ATOM, D_ATOM))  # nHidden ResidualLayers, 2 Dense each
    W_out = _init_w(ks[9], (D_ATOM, 1))                    # out_energy (num_targets=1, no bias)
    return {"x": x, "edge_attr": edge_attr, "edge_index": edge_index, "rbf": rbf, "y": y,
            "W_rbf_out": W_rbf_out, "W_dense_rbf": W_dense_rbf, "W1": W1, "W_res": W_res, "W_out": W_out}

def reference(x, edge_attr, edge_index, rbf, y, W_rbf_out, W_dense_rbf, W1, W_res, W_out):
    dst = edge_index[1]
    # rbf_out = self.mlp_rbf_out(rbf)
    rbf_out = rbf @ W_rbf_out
    # OutputBlock energy branch
    rbf_emb = rbf_out @ W_dense_rbf            # (E, emb_size_edge)
    xm = edge_attr * rbf_emb                   # m * rbf_emb
    x_E = jax.ops.segment_sum(xm, dst, num_segments=N)  # scatter-add edges -> atoms
    h = jax.nn.silu(x_E @ W1)                  # Dense emb_size_edge -> emb_size_atom
    for i in range(N_HIDDEN):                  # ResidualLayers with 1/sqrt(2) skip scaling
        t = jax.nn.silu(h @ W_res[i, 0])
        t = jax.nn.silu(t @ W_res[i, 1])
        h = (h + t) * INV_SQRT2
    E_out = h @ W_out                          # (N, 1) per-atom energy contributions
    return (E_out, y)

if __name__ == "__main__":
    import jax
    _d = setup_inputs()
    print(jax.jit(kernel)(*tuple(_d.values())))

</pallas_src>

<mosaic_0001>
#map = affine_map<(d0, d1) -> (0, 0, 0)>
module attributes {stable_mosaic.version = 14 : i64} {
  func.func @_scatter_body(%arg0: i32, %arg1: i32, %arg2: memref<2x160000x128xf32, #tpu.memory_space<hbm>>, %arg3: memref<16x125x80xi32, #tpu.memory_space<hbm>>, %arg4: memref<2x10000x128xf32, #tpu.memory_space<hbm>>, %arg5: memref<125x80xi32, #tpu.memory_space<vmem>>, %arg6: memref<3x80x128xf32, #tpu.memory_space<vmem>>, %arg7: memref<10000x128xf32, #tpu.memory_space<vmem_shared>>, %arg8: memref<3x!tpu.dma_semaphore, #tpu.memory_space<semaphore_mem>>) attributes {dimension_semantics = [#tpu.dimension_semantics<core_parallel>, #tpu.dimension_semantics<subcore_parallel>], iteration_bounds = array<i64: 2, 16>, scalar_prefetch = 0 : i64, scratch_operands = 4 : i64, tpu.core_type = #tpu.core_type<sc_vector_subcore>, window_params = [{transform_indices = #map}, {transform_indices = #map}, {transform_indices = #map}]} {
    %broadcast_in_dim3A = arith.constant 0.000000e+00 : f32
    %broadcast_in_dim3A_0 = vector.broadcast %broadcast_in_dim3A : f32 to vector<16xf32>
    %scan3A = arith.constant 0 : i32
    %scan3A_1 = arith.constant 0 : i32
    %scan3A_2 = arith.constant 0 : i32
    %scan3A_3 = arith.constant 80 : i32
    %scan3A_4 = arith.addi %scan3A_2, %scan3A_3 : i32
    %scan3A_5 = arith.constant 1 : i32
    scf.for %scan3A_202 = %scan3A_2 to %scan3A_4 step %scan3A_5  : i32 {
      %swap3A = arith.constant 0 : i32
      %swap3A_203 = arith.constant 0 : i32
      %swap3A_204 = tpu.memref_slice %arg6[%scan3A_1, %swap3A, %swap3A_203] : memref<3x80x128xf32, #tpu.memory_space<vmem>> -> memref<1x80x128xf32, #tpu.memory_space<vmem>>
      %swap3A_205 = tpu.memref_squeeze %swap3A_204 : memref<1x80x128xf32, #tpu.memory_space<vmem>> -> memref<80x128xf32, #tpu.memory_space<vmem>>
      %swap3A_206 = arith.index_cast %scan3A_202 : i32 to index
      %swap3A_207 = arith.constant 0 : index
      %swap3A_208 = tpu.vector_load %swap3A_205[%swap3A_206, %swap3A_207] {strides = array<i32>} : memref<80x128xf32, #tpu.memory_space<vmem>>, vector<1x16xf32>,
      %swap3A_209 = vector.shape_cast %swap3A_208 : vector<1x16xf32> to vector<16xf32>
      %swap3A_210 = vector.shape_cast %broadcast_in_dim3A_0 : vector<16xf32> to vector<1x16xf32>
      tpu.vector_store %swap3A_205[%swap3A_206, %swap3A_207], %swap3A_210 {strides = array<i32>} : memref<80x128xf32, #tpu.memory_space<vmem>>, vector<1x16xf32>,
      %swap3A_211 = arith.constant 0 : i32
      %swap3A_212 = arith.constant 0 : i32
      %swap3A_213 = tpu.memref_slice %arg6[%scan3A_1, %swap3A_211, %swap3A_212] : memref<3x80x128xf32, #tpu.memory_space<vmem>> -> memref<1x80x128xf32, #tpu.memory_space<vmem>>
      %swap3A_214 = tpu.memref_squeeze %swap3A_213 : memref<1x80x128xf32, #tpu.memory_space<vmem>> -> memref<80x128xf32, #tpu.memory_space<vmem>>
      %swap3A_215 = arith.index_cast %scan3A_202 : i32 to index
      %swap3A_216 = arith.constant 16 : index
      %swap3A_217 = tpu.vector_load %swap3A_214[%swap3A_215, %swap3A_216] {strides = array<i32>} : memref<80x128xf32, #tpu.memory_space<vmem>>, vector<1x16xf32>,
      %swap3A_218 = vector.shape_cast %swap3A_217 : vector<1x16xf32> to vector<16xf32>
      %swap3A_219 = vector.shape_cast %broadcast_in_dim3A_0 : vector<16xf32> to vector<1x16xf32>
      tpu.vector_store %swap3A_214[%swap3A_215, %swap3A_216], %swap3A_219 {strides = array<i32>} : memref<80x128xf32, #tpu.memory_space<vmem>>, vector<1x16xf32>,
      %swap3A_220 = arith.constant 0 : i32
      %swap3A_221 = arith.constant 0 : i32
      %swap3A_222 = tpu.memref_slice %arg6[%scan3A_1, %swap3A_220, %swap3A_221] : memref<3x80x128xf32, #tpu.memory_space<vmem>> -> memref<1x80x128xf32, #tpu.memory_space<vmem>>
      %swap3A_223 = tpu.memref_squeeze %swap3A_222 : memref<1x80x128xf32, #tpu.memory_space<vmem>> -> memref<80x128xf32, #tpu.memory_space<vmem>>
      %swap3A_224 = arith.index_cast %scan3A_202 : i32 to index
      %swap3A_225 = arith.constant 32 : index
      %swap3A_226 = tpu.vector_load %swap3A_223[%swap3A_224, %swap3A_225] {strides = array<i32>} : memref<80x128xf32, #tpu.memory_space<vmem>>, vector<1x16xf32>,
      %swap3A_227 = vector.shape_cast %swap3A_226 : vector<1x16xf32> to vector<16xf32>
      %swap3A_228 = vector.shape_cast %broadcast_in_dim3A_0 : vector<16xf32> to vector<1x16xf32>
      tpu.vector_store %swap3A_223[%swap3A_224, %swap3A_225], %swap3A_228 {strides = array<i32>} : memref<80x128xf32, #tpu.memory_space<vmem>>, vector<1x16xf32>,
      %swap3A_229 = arith.constant 0 : i32
      %swap3A_230 = arith.constant 0 : i32
      %swap3A_231 = tpu.memref_slice %arg6[%scan3A_1, %swap3A_229, %swap3A_230] : memref<3x80x128xf32, #tpu.memory_space<vmem>> -> memref<1x80x128xf32, #tpu.memory_space<vmem>>
      %swap3A_232 = tpu.memref_squeeze %swap3A_231 : memref<1x80x128xf32, #tpu.memory_space<vmem>> -> memref<80x128xf32, #tpu.memory_space<vmem>>
      %swap3A_233 = arith.index_cast %scan3A_202 : i32 to index
      %swap3A_234 = arith.constant 48 : index
      %swap3A_235 = tpu.vector_load %swap3A_232[%swap3A_233, %swap3A_234] {strides = array<i32>} : memref<80x128xf32, #tpu.memory_space<vmem>>, vector<1x16xf32>,
      %swap3A_236 = vector.shape_cast %swap3A_235 : vector<1x16xf32> to vector<16xf32>
      %swap3A_237 = vector.shape_cast %broadcast_in_dim3A_0 : vector<16xf32> to vector<1x16xf32>
      tpu.vector_store %swap3A_232[%swap3A_233, %swap3A_234], %swap3A_237 {strides = array<i32>} : memref<80x128xf32, #tpu.memory_space<vmem>>, vector<1x16xf32>,
      %swap3A_238 = arith.constant 0 : i32
      %swap3A_239 = arith.constant 0 : i32
      %swap3A_240 = tpu.memref_slice %arg6[%scan3A_1, %swap3A_238, %swap3A_239] : memref<3x80x128xf32, #tpu.memory_space<vmem>> -> memref<1x80x128xf32, #tpu.memory_space<vmem>>
      %swap3A_241 = tpu.memref_squeeze %swap3A_240 : memref<1x80x128xf32, #tpu.memory_space<vmem>> -> memref<80x128xf32, #tpu.memory_space<vmem>>
      %swap3A_242 = arith.index_cast %scan3A_202 : i32 to index
      %swap3A_243 = arith.constant 64 : index
      %swap3A_244 = tpu.vector_load %swap3A_241[%swap3A_242, %swap3A_243] {strides = array<i32>} : memref<80x128xf32, #tpu.memory_space<vmem>>, vector<1x16xf32>,
      %swap3A_245 = vector.shape_cast %swap3A_244 : vector<1x16xf32> to vector<16xf32>
      %swap3A_246 = vector.shape_cast %broadcast_in_dim3A_0 : vector<16xf32> to vector<1x16xf32>
      tpu.vector_store %swap3A_241[%swap3A_242, %swap3A_243], %swap3A_246 {strides = array<i32>} : memref<80x128xf32, #tpu.memory_space<vmem>>, vector<1x16xf32>,
      %swap3A_247 = arith.constant 0 : i32
      %swap3A_248 = arith.constant 0 : i32
      %swap3A_249 = tpu.memref_slice %arg6[%scan3A_1, %swap3A_247, %swap3A_248] : memref<3x80x128xf32, #tpu.memory_space<vmem>> -> memref<1x80x128xf32, #tpu.memory_space<vmem>>
      %swap3A_250 = tpu.memref_squeeze %swap3A_249 : memref<1x80x128xf32, #tpu.memory_space<vmem>> -> memref<80x128xf32, #tpu.memory_space<vmem>>
      %swap3A_251 = arith.index_cast %scan3A_202 : i32 to index
      %swap3A_252 = arith.constant 80 : index
      %swap3A_253 = tpu.vector_load %swap3A_250[%swap3A_251, %swap3A_252] {strides = array<i32>} : memref<80x128xf32, #tpu.memory_space<vmem>>, vector<1x16xf32>,
      %swap3A_254 = vector.shape_cast %swap3A_253 : vector<1x16xf32> to vector<16xf32>
      %swap3A_255 = vector.shape_cast %broadcast_in_dim3A_0 : vector<16xf32> to vector<1x16xf32>
      tpu.vector_store %swap3A_250[%swap3A_251, %swap3A_252], %swap3A_255 {strides = array<i32>} : memref<80x128xf32, #tpu.memory_space<vmem>>, vector<1x16xf32>,
      %swap3A_256 = arith.constant 0 : i32
      %swap3A_257 = arith.constant 0 : i32
      %swap3A_258 = tpu.memref_slice %arg6[%scan3A_1, %swap3A_256, %swap3A_257] : memref<3x80x128xf32, #tpu.memory_space<vmem>> -> memref<1x80x128xf32, #tpu.memory_space<vmem>>
      %swap3A_259 = tpu.memref_squeeze %swap3A_258 : memref<1x80x128xf32, #tpu.memory_space<vmem>> -> memref<80x128xf32, #tpu.memory_space<vmem>>
      %swap3A_260 = arith.index_cast %scan3A_202 : i32 to index
      %swap3A_261 = arith.constant 96 : index
      %swap3A_262 = tpu.vector_load %swap3A_259[%swap3A_260, %swap3A_261] {strides = array<i32>} : memref<80x128xf32, #tpu.memory_space<vmem>>, vector<1x16xf32>,
      %swap3A_263 = vector.shape_cast %swap3A_262 : vector<1x16xf32> to vector<16xf32>
      %swap3A_264 = vector.shape_cast %broadcast_in_dim3A_0 : vector<16xf32> to vector<1x16xf32>
      tpu.vector_store %swap3A_259[%swap3A_260, %swap3A_261], %swap3A_264 {strides = array<i32>} : memref<80x128xf32, #tpu.memory_space<vmem>>, vector<1x16xf32>,
      %swap3A_265 = arith.constant 0 : i32
      %swap3A_266 = arith.constant 0 : i32
      %swap3A_267 = tpu.memref_slice %arg6[%scan3A_1, %swap3A_265, %swap3A_266] : memref<3x80x128xf32, #tpu.memory_space<vmem>> -> memref<1x80x128xf32, #tpu.memory_space<vmem>>
      %swap3A_268 = tpu.memref_squeeze %swap3A_267 : memref<1x80x128xf32, #tpu.memory_space<vmem>> -> memref<80x128xf32, #tpu.memory_space<vmem>>
      %swap3A_269 = arith.index_cast %scan3A_202 : i32 to index
      %swap3A_270 = arith.constant 112 : index
      %swap3A_271 = tpu.vector_load %swap3A_268[%swap3A_269, %swap3A_270] {strides = array<i32>} : memref<80x128xf32, #tpu.memory_space<vmem>>, vector<1x16xf32>,
      %swap3A_272 = vector.shape_cast %swap3A_271 : vector<1x16xf32> to vector<16xf32>
      %swap3A_273 = vector.shape_cast %broadcast_in_dim3A_0 : vector<16xf32> to vector<1x16xf32>
      tpu.vector_store %swap3A_268[%swap3A_269, %swap3A_270], %swap3A_273 {strides = array<i32>} : memref<80x128xf32, #tpu.memory_space<vmem>>, vector<1x16xf32>,
    }
    %scan3A_6 = arith.constant 80 : i32
    %add3A = arith.constant 0 : i32
    %add3A_7 = arith.addi %arg1, %add3A : i32
    %lt3A = arith.constant 125 : i32
    %lt3A_8 = arith.cmpi slt, %add3A_7, %lt3A : i32
    %convert_element_type3A = arith.extui %lt3A_8 : i1 to i32
    %cond3A = arith.constant 0 : i32
    %cond3A_9 = arith.constant 0 : i32
    %cond3A_10 = arith.cmpi ne, %convert_element_type3A, %cond3A_9 : i32
    scf.if %cond3A_10 {
      %mul3A_202 = arith.constant 80 : i32
      %mul3A_203 = arith.muli %add3A_7, %mul3A_202 : i32
      "tpu.region"() ({
        %run_scoped3A = tpu.sem_alloc : memref<!tpu.dma_semaphore, #tpu.memory_space<semaphore_mem>>
        %dma_start3A_204 = arith.constant 0 : i32
        %dma_start3A_205 = arith.constant 0 : i32
        %dma_start3A_206 = tpu.memref_slice %arg6[%cond3A, %dma_start3A_204, %dma_start3A_205] : memref<3x80x128xf32, #tpu.memory_space<vmem>> -> memref<1x80x128xf32, #tpu.memory_space<vmem>>
        %dma_start3A_207 = tpu.memref_squeeze %dma_start3A_206 : memref<1x80x128xf32, #tpu.memory_space<vmem>> -> memref<80x128xf32, #tpu.memory_space<vmem>>
        %dma_start3A_208 = arith.constant 0 : i32
        %dma_start3A_209 = tpu.memref_slice %arg7[%mul3A_203, %dma_start3A_208] : memref<10000x128xf32, #tpu.memory_space<vmem_shared>> -> memref<80x128xf32, #tpu.memory_space<vmem_shared>>
        %dma_start3A_210 = arith.constant 0 : i32
        %dma_start3A_211 = tpu.memref_slice %arg7[%mul3A_203, %dma_start3A_210] : memref<10000x128xf32, #tpu.memory_space<vmem_shared>> -> memref<80x128xf32, #tpu.memory_space<vmem_shared>>
        %dma_start3A_212 = arith.constant 0 : i32
        %dma_start3A_213 = arith.constant 0 : i32
        %dma_start3A_214 = tpu.memref_slice %arg6[%cond3A, %dma_start3A_212, %dma_start3A_213] : memref<3x80x128xf32, #tpu.memory_space<vmem>> -> memref<1x80x128xf32, #tpu.memory_space<vmem>>
        %dma_start3A_215 = tpu.memref_squeeze %dma_start3A_214 : memref<1x80x128xf32, #tpu.memory_space<vmem>> -> memref<80x128xf32, #tpu.memory_space<vmem>>
        tpu.enqueue_dma source(%dma_start3A_215 : memref<80x128xf32, #tpu.memory_space<vmem>>) target(%dma_start3A_211 : memref<80x128xf32, #tpu.memory_space<vmem_shared>>) target_semaphore(%run_scoped3A : memref<!tpu.dma_semaphore, #tpu.memory_space<semaphore_mem>>)
        %dma_wait3A = arith.constant 0 : i32
        %dma_wait3A_216 = arith.constant 0 : i32
        %dma_wait3A_217 = tpu.memref_slice %arg6[%cond3A, %dma_wait3A, %dma_wait3A_216] : memref<3x80x128xf32, #tpu.memory_space<vmem>> -> memref<1x80x128xf32, #tpu.memory_space<vmem>>
        %dma_wait3A_218 = tpu.memref_squeeze %dma_wait3A_217 : memref<1x80x128xf32, #tpu.memory_space<vmem>> -> memref<80x128xf32, #tpu.memory_space<vmem>>
        %dma_wait3A_219 = arith.constant 0 : i32
        %dma_wait3A_220 = tpu.memref_slice %arg7[%mul3A_203, %dma_wait3A_219] : memref<10000x128xf32, #tpu.memory_space<vmem_shared>> -> memref<80x128xf32, #tpu.memory_space<vmem_shared>>
        %dma_wait3A_221 = arith.constant 0 : i32
        %dma_wait3A_222 = tpu.memref_slice %arg7[%mul3A_203, %dma_wait3A_221] : memref<10000x128xf32, #tpu.memory_space<vmem_shared>> -> memref<80x128xf32, #tpu.memory_space<vmem_shared>>
        %dma_wait3A_223 = arith.constant 0 : i32
        %dma_wait3A_224 = arith.constant 0 : i32
        %dma_wait3A_225 = tpu.memref_slice %arg6[%cond3A, %dma_wait3A_223, %dma_wait3A_224] : memref<3x80x128xf32, #tpu.memory_space<vmem>> -> memref<1x80x128xf32, #tpu.memory_space<vmem>>
        %dma_wait3A_226 = tpu.memref_squeeze %dma_wait3A_225 : memref<1x80x128xf32, #tpu.memory_space<vmem>> -> memref<80x128xf32, #tpu.memory_space<vmem>>
        tpu.wait_dma2 semaphore(%run_scoped3A : memref<!tpu.dma_semaphore, #tpu.memory_space<semaphore_mem>>) src(%dma_wait3A_226 : memref<80x128xf32, #tpu.memory_space<vmem>>) dst(%dma_wait3A_222 : memref<80x128xf32, #tpu.memory_space<vmem_shared>>)
        tpu.yield
      }) : () -> ()
    } else {
    }
    %add3A_11 = arith.constant 16 : i32
    %add3A_12 = arith.addi %arg1, %add3A_11 : i32
    %lt3A_13 = arith.constant 125 : i32
    %lt3A_14 = arith.cmpi slt, %add3A_12, %lt3A_13 : i32
    %convert_element_type3A_15 = arith.extui %lt3A_14 : i1 to i32
    %cond3A_16 = arith.constant 0 : i32
    %cond3A_17 = arith.constant 0 : i32
    %cond3A_18 = arith.cmpi ne, %convert_element_type3A_15, %cond3A_17 : i32
    scf.if %cond3A_18 {
      %mul3A_202 = arith.constant 80 : i32
      %mul3A_203 = arith.muli %add3A_12, %mul3A_202 : i32
      "tpu.region"() ({
        %run_scoped3A = tpu.sem_alloc : memref<!tpu.dma_semaphore, #tpu.memory_space<semaphore_mem>>
        %dma_start3A_204 = arith.constant 0 : i32
        %dma_start3A_205 = arith.constant 0 : i32
        %dma_start3A_206 = tpu.memref_slice %arg6[%cond3A_16, %dma_start3A_204, %dma_start3A_205] : memref<3x80x128xf32, #tpu.memory_space<vmem>> -> memref<1x80x128xf32, #tpu.memory_space<vmem>>
        %dma_start3A_207 = tpu.memref_squeeze %dma_start3A_206 : memref<1x80x128xf32, #tpu.memory_space<vmem>> -> memref<80x128xf32, #tpu.memory_space<vmem>>
        %dma_start3A_208 = arith.constant 0 : i32
        %dma_start3A_209 = tpu.memref_slice %arg7[%mul3A_203, %dma_start3A_208] : memref<10000x128xf32, #tpu.memory_space<vmem_shared>> -> memref<80x128xf32, #tpu.memory_space<vmem_shared>>
        %dma_start3A_210 = arith.constant 0 : i32
        %dma_start3A_211 = tpu.memref_slice %arg7[%mul3A_203, %dma_start3A_210] : memref<10000x128xf32, #tpu.memory_space<vmem_shared>> -> memref<80x128xf32, #tpu.memory_space<vmem_shared>>
        %dma_start3A_212 = arith.constant 0 : i32
        %dma_start3A_213 = arith.constant 0 : i32
        %dma_start3A_214 = tpu.memref_slice %arg6[%cond3A_16, %dma_start3A_212, %dma_start3A_213] : memref<3x80x128xf32, #tpu.memory_space<vmem>> -> memref<1x80x128xf32, #tpu.memory_space<vmem>>
        %dma_start3A_215 = tpu.memref_squeeze %dma_start3A_214 : memref<1x80x128xf32, #tpu.memory_space<vmem>> -> memref<80x128xf32, #tpu.memory_space<vmem>>
        tpu.enqueue_dma source(%dma_start3A_215 : memref<80x128xf32, #tpu.memory_space<vmem>>) target(%dma_start3A_211 : memref<80x128xf32, #tpu.memory_space<vmem_shared>>) target_semaphore(%run_scoped3A : memref<!tpu.dma_semaphore, #tpu.memory_space<semaphore_mem>>)
        %dma_wait3A = arith.constant 0 : i32
        %dma_wait3A_216 = arith.constant 0 : i32
        %dma_wait3A_217 = tpu.memref_slice %arg6[%cond3A_16, %dma_wait3A, %dma_wait3A_216] : memref<3x80x128xf32, #tpu.memory_space<vmem>> -> memref<1x80x128xf32, #tpu.memory_space<vmem>>
        %dma_wait3A_218 = tpu.memref_squeeze %dma_wait3A_217 : memref<1x80x128xf32, #tpu.memory_space<vmem>> -> memref<80x128xf32, #tpu.memory_space<vmem>>
        %dma_wait3A_219 = arith.constant 0 : i32
        %dma_wait3A_220 = tpu.memref_slice %arg7[%mul3A_203, %dma_wait3A_219] : memref<10000x128xf32, #tpu.memory_space<vmem_shared>> -> memref<80x128xf32, #tpu.memory_space<vmem_shared>>
        %dma_wait3A_221 = arith.constant 0 : i32
        %dma_wait3A_222 = tpu.memref_slice %arg7[%mul3A_203, %dma_wait3A_221] : memref<10000x128xf32, #tpu.memory_space<vmem_shared>> -> memref<80x128xf32, #tpu.memory_space<vmem_shared>>
        %dma_wait3A_223 = arith.constant 0 : i32
        %dma_wait3A_224 = arith.constant 0 : i32
        %dma_wait3A_225 = tpu.memref_slice %arg6[%cond3A_16, %dma_wait3A_223, %dma_wait3A_224] : memref<3x80x128xf32, #tpu.memory_space<vmem>> -> memref<1x80x128xf32, #tpu.memory_space<vmem>>
        %dma_wait3A_226 = tpu.memref_squeeze %dma_wait3A_225 : memref<1x80x128xf32, #tpu.memory_space<vmem>> -> memref<80x128xf32, #tpu.memory_space<vmem>>
        tpu.wait_dma2 semaphore(%run_scoped3A : memref<!tpu.dma_semaphore, #tpu.memory_space<semaphore_mem>>) src(%dma_wait3A_226 : memref<80x128xf32, #tpu.memory_space<vmem>>) dst(%dma_wait3A_222 : memref<80x128xf32, #tpu.memory_space<vmem_shared>>)
        tpu.yield
      }) : () -> ()
    } else {
    }
    %add3A_19 = arith.constant 32 : i32
    %add3A_20 = arith.addi %arg1, %add3A_19 : i32
    %lt3A_21 = arith.constant 125 : i32
    %lt3A_22 = arith.cmpi slt, %add3A_20, %lt3A_21 : i32
    %convert_element_type3A_23 = arith.extui %lt3A_22 : i1 to i32
    %cond3A_24 = arith.constant 0 : i32
    %cond3A_25 = arith.constant 0 : i32
    %cond3A_26 = arith.cmpi ne, %convert_element_type3A_23, %cond3A_25 : i32
    scf.if %cond3A_26 {
      %mul3A_202 = arith.constant 80 : i32
      %mul3A_203 = arith.muli %add3A_20, %mul3A_202 : i32
      "tpu.region"() ({
        %run_scoped3A = tpu.sem_alloc : memref<!tpu.dma_semaphore, #tpu.memory_space<semaphore_mem>>
        %dma_start3A_204 = arith.constant 0 : i32
        %dma_start3A_205 = arith.constant 0 : i32
        %dma_start3A_206 = tpu.memref_slice %arg6[%cond3A_24, %dma_start3A_204, %dma_start3A_205] : memref<3x80x128xf32, #tpu.memory_space<vmem>> -> memref<1x80x128xf32, #tpu.memory_space<vmem>>
        %dma_start3A_207 = tpu.memref_squeeze %dma_start3A_206 : memref<1x80x128xf32, #tpu.memory_space<vmem>> -> memref<80x128xf32, #tpu.memory_space<vmem>>
        %dma_start3A_208 = arith.constant 0 : i32
        %dma_start3A_209 = tpu.memref_slice %arg7[%mul3A_203, %dma_start3A_208] : memref<10000x128xf32, #tpu.memory_space<vmem_shared>> -> memref<80x128xf32, #tpu.memory_space<vmem_shared>>
        %dma_start3A_210 = arith.constant 0 : i32
        %dma_start3A_211 = tpu.memref_slice %arg7[%mul3A_203, %dma_start3A_210] : memref<10000x128xf32, #tpu.memory_space<vmem_shared>> -> memref<80x128xf32, #tpu.memory_space<vmem_shared>>
        %dma_start3A_212 = arith.constant 0 : i32
        %dma_start3A_213 = arith.constant 0 : i32
        %dma_start3A_214 = tpu.memref_slice %arg6[%cond3A_24, %dma_start3A_212, %dma_start3A_213] : memref<3x80x128xf32, #tpu.memory_space<vmem>> -> memref<1x80x128xf32, #tpu.memory_space<vmem>>
        %dma_start3A_215 = tpu.memref_squeeze %dma_start3A_214 : memref<1x80x128xf32, #tpu.memory_space<vmem>> -> memref<80x128xf32, #tpu.memory_space<vmem>>
        tpu.enqueue_dma source(%dma_start3A_215 : memref<80x128xf32, #tpu.memory_space<vmem>>) target(%dma_start3A_211 : memref<80x128xf32, #tpu.memory_space<vmem_shared>>) target_semaphore(%run_scoped3A : memref<!tpu.dma_semaphore, #tpu.memory_space<semaphore_mem>>)
        %dma_wait3A = arith.constant 0 : i32
        %dma_wait3A_216 = arith.constant 0 : i32
        %dma_wait3A_217 = tpu.memref_slice %arg6[%cond3A_24, %dma_wait3A, %dma_wait3A_216] : memref<3x80x128xf32, #tpu.memory_space<vmem>> -> memref<1x80x128xf32, #tpu.memory_space<vmem>>
        %dma_wait3A_218 = tpu.memref_squeeze %dma_wait3A_217 : memref<1x80x128xf32, #tpu.memory_space<vmem>> -> memref<80x128xf32, #tpu.memory_space<vmem>>
        %dma_wait3A_219 = arith.constant 0 : i32
        %dma_wait3A_220 = tpu.memref_slice %arg7[%mul3A_203, %dma_wait3A_219] : memref<10000x128xf32, #tpu.memory_space<vmem_shared>> -> memref<80x128xf32, #tpu.memory_space<vmem_shared>>
        %dma_wait3A_221 = arith.constant 0 : i32
        %dma_wait3A_222 = tpu.memref_slice %arg7[%mul3A_203, %dma_wait3A_221] : memref<10000x128xf32, #tpu.memory_space<vmem_shared>> -> memref<80x128xf32, #tpu.memory_space<vmem_shared>>
        %dma_wait3A_223 = arith.constant 0 : i32
        %dma_wait3A_224 = arith.constant 0 : i32
        %dma_wait3A_225 = tpu.memref_slice %arg6[%cond3A_24, %dma_wait3A_223, %dma_wait3A_224] : memref<3x80x128xf32, #tpu.memory_space<vmem>> -> memref<1x80x128xf32, #tpu.memory_space<vmem>>
        %dma_wait3A_226 = tpu.memref_squeeze %dma_wait3A_225 : memref<1x80x128xf32, #tpu.memory_space<vmem>> -> memref<80x128xf32, #tpu.memory_space<vmem>>
        tpu.wait_dma2 semaphore(%run_scoped3A : memref<!tpu.dma_semaphore, #tpu.memory_space<semaphore_mem>>) src(%dma_wait3A_226 : memref<80x128xf32, #tpu.memory_space<vmem>>) dst(%dma_wait3A_222 : memref<80x128xf32, #tpu.memory_space<vmem_shared>>)
        tpu.yield
      }) : () -> ()
    } else {
    }
    %add3A_27 = arith.constant 48 : i32
    %add3A_28 = arith.addi %arg1, %add3A_27 : i32
    %lt3A_29 = arith.constant 125 : i32
    %lt3A_30 = arith.cmpi slt, %add3A_28, %lt3A_29 : i32
    %convert_element_type3A_31 = arith.extui %lt3A_30 : i1 to i32
    %cond3A_32 = arith.constant 0 : i32
    %cond3A_33 = arith.constant 0 : i32
    %cond3A_34 = arith.cmpi ne, %convert_element_type3A_31, %cond3A_33 : i32
    scf.if %cond3A_34 {
      %mul3A_202 = arith.constant 80 : i32
      %mul3A_203 = arith.muli %add3A_28, %mul3A_202 : i32
      "tpu.region"() ({
        %run_scoped3A = tpu.sem_alloc : memref<!tpu.dma_semaphore, #tpu.memory_space<semaphore_mem>>
        %dma_start3A_204 = arith.constant 0 : i32
        %dma_start3A_205 = arith.constant 0 : i32
        %dma_start3A_206 = tpu.memref_slice %arg6[%cond3A_32, %dma_start3A_204, %dma_start3A_205] : memref<3x80x128xf32, #tpu.memory_space<vmem>> -> memref<1x80x128xf32, #tpu.memory_space<vmem>>
        %dma_start3A_207 = tpu.memref_squeeze %dma_start3A_206 : memref<1x80x128xf32, #tpu.memory_space<vmem>> -> memref<80x128xf32, #tpu.memory_space<vmem>>
        %dma_start3A_208 = arith.constant 0 : i32
        %dma_start3A_209 = tpu.memref_slice %arg7[%mul3A_203, %dma_start3A_208] : memref<10000x128xf32, #tpu.memory_space<vmem_shared>> -> memref<80x128xf32, #tpu.memory_space<vmem_shared>>
        %dma_start3A_210 = arith.constant 0 : i32
        %dma_start3A_211 = tpu.memref_slice %arg7[%mul3A_203, %dma_start3A_210] : memref<10000x128xf32, #tpu.memory_space<vmem_shared>> -> memref<80x128xf32, #tpu.memory_space<vmem_shared>>
        %dma_start3A_212 = arith.constant 0 : i32
        %dma_start3A_213 = arith.constant 0 : i32
        %dma_start3A_214 = tpu.memref_slice %arg6[%cond3A_32, %dma_start3A_212, %dma_start3A_213] : memref<3x80x128xf32, #tpu.memory_space<vmem>> -> memref<1x80x128xf32, #tpu.memory_space<vmem>>
        %dma_start3A_215 = tpu.memref_squeeze %dma_start3A_214 : memref<1x80x128xf32, #tpu.memory_space<vmem>> -> memref<80x128xf32, #tpu.memory_space<vmem>>
        tpu.enqueue_dma source(%dma_start3A_215 : memref<80x128xf32, #tpu.memory_space<vmem>>) target(%dma_start3A_211 : memref<80x128xf32, #tpu.memory_space<vmem_shared>>) target_semaphore(%run_scoped3A : memref<!tpu.dma_semaphore, #tpu.memory_space<semaphore_mem>>)
        %dma_wait3A = arith.constant 0 : i32
        %dma_wait3A_216 = arith.constant 0 : i32
        %dma_wait3A_217 = tpu.memref_slice %arg6[%cond3A_32, %dma_wait3A, %dma_wait3A_216] : memref<3x80x128xf32, #tpu.memory_space<vmem>> -> memref<1x80x128xf32, #tpu.memory_space<vmem>>
        %dma_wait3A_218 = tpu.memref_squeeze %dma_wait3A_217 : memref<1x80x128xf32, #tpu.memory_space<vmem>> -> memref<80x128xf32, #tpu.memory_space<vmem>>
        %dma_wait3A_219 = arith.constant 0 : i32
        %dma_wait3A_220 = tpu.memref_slice %arg7[%mul3A_203, %dma_wait3A_219] : memref<10000x128xf32, #tpu.memory_space<vmem_shared>> -> memref<80x128xf32, #tpu.memory_space<vmem_shared>>
        %dma_wait3A_221 = arith.constant 0 : i32
        %dma_wait3A_222 = tpu.memref_slice %arg7[%mul3A_203, %dma_wait3A_221] : memref<10000x128xf32, #tpu.memory_space<vmem_shared>> -> memref<80x128xf32, #tpu.memory_space<vmem_shared>>
        %dma_wait3A_223 = arith.constant 0 : i32
        %dma_wait3A_224 = arith.constant 0 : i32
        %dma_wait3A_225 = tpu.memref_slice %arg6[%cond3A_32, %dma_wait3A_223, %dma_wait3A_224] : memref<3x80x128xf32, #tpu.memory_space<vmem>> -> memref<1x80x128xf32, #tpu.memory_space<vmem>>
        %dma_wait3A_226 = tpu.memref_squeeze %dma_wait3A_225 : memref<1x80x128xf32, #tpu.memory_space<vmem>> -> memref<80x128xf32, #tpu.memory_space<vmem>>
        tpu.wait_dma2 semaphore(%run_scoped3A : memref<!tpu.dma_semaphore, #tpu.memory_space<semaphore_mem>>) src(%dma_wait3A_226 : memref<80x128xf32, #tpu.memory_space<vmem>>) dst(%dma_wait3A_222 : memref<80x128xf32, #tpu.memory_space<vmem_shared>>)
        tpu.yield
      }) : () -> ()
    } else {
    }
    %add3A_35 = arith.constant 64 : i32
    %add3A_36 = arith.addi %arg1, %add3A_35 : i32
    %lt3A_37 = arith.constant 125 : i32
    %lt3A_38 = arith.cmpi slt, %add3A_36, %lt3A_37 : i32
    %convert_element_type3A_39 = arith.extui %lt3A_38 : i1 to i32
    %cond3A_40 = arith.constant 0 : i32
    %cond3A_41 = arith.constant 0 : i32
    %cond3A_42 = arith.cmpi ne, %convert_element_type3A_39, %cond3A_41 : i32
    scf.if %cond3A_42 {
      %mul3A_202 = arith.constant 80 : i32
      %mul3A_203 = arith.muli %add3A_36, %mul3A_202 : i32
      "tpu.region"() ({
        %run_scoped3A = tpu.sem_alloc : memref<!tpu.dma_semaphore, #tpu.memory_space<semaphore_mem>>
        %dma_start3A_204 = arith.constant 0 : i32
        %dma_start3A_205 = arith.constant 0 : i32
        %dma_start3A_206 = tpu.memref_slice %arg6[%cond3A_40, %dma_start3A_204, %dma_start3A_205] : memref<3x80x128xf32, #tpu.memory_space<vmem>> -> memref<1x80x128xf32, #tpu.memory_space<vmem>>
        %dma_start3A_207 = tpu.memref_squeeze %dma_start3A_206 : memref<1x80x128xf32, #tpu.memory_space<vmem>> -> memref<80x128xf32, #tpu.memory_space<vmem>>
        %dma_start3A_208 = arith.constant 0 : i32
        %dma_start3A_209 = tpu.memref_slice %arg7[%mul3A_203, %dma_start3A_208] : memref<10000x128xf32, #tpu.memory_space<vmem_shared>> -> memref<80x128xf32, #tpu.memory_space<vmem_shared>>
        %dma_start3A_210 = arith.constant 0 : i32
        %dma_start3A_211 = tpu.memref_slice %arg7[%mul3A_203, %dma_start3A_210] : memref<10000x128xf32, #tpu.memory_space<vmem_shared>> -> memref<80x128xf32, #tpu.memory_space<vmem_shared>>
        %dma_start3A_212 = arith.constant 0 : i32
        %dma_start3A_213 = arith.constant 0 : i32
        %dma_start3A_214 = tpu.memref_slice %arg6[%cond3A_40, %dma_start3A_212, %dma_start3A_213] : memref<3x80x128xf32, #tpu.memory_space<vmem>> -> memref<1x80x128xf32, #tpu.memory_space<vmem>>
        %dma_start3A_215 = tpu.memref_squeeze %dma_start3A_214 : memref<1x80x128xf32, #tpu.memory_space<vmem>> -> memref<80x128xf32, #tpu.memory_space<vmem>>
        tpu.enqueue_dma source(%dma_start3A_215 : memref<80x128xf32, #tpu.memory_space<vmem>>) target(%dma_start3A_211 : memref<80x128xf32, #tpu.memory_space<vmem_shared>>) target_semaphore(%run_scoped3A : memref<!tpu.dma_semaphore, #tpu.memory_space<semaphore_mem>>)
        %dma_wait3A = arith.constant 0 : i32
        %dma_wait3A_216 = arith.constant 0 : i32
        %dma_wait3A_217 = tpu.memref_slice %arg6[%cond3A_40, %dma_wait3A, %dma_wait3A_216] : memref<3x80x128xf32, #tpu.memory_space<vmem>> -> memref<1x80x128xf32, #tpu.memory_space<vmem>>
        %dma_wait3A_218 = tpu.memref_squeeze %dma_wait3A_217 : memref<1x80x128xf32, #tpu.memory_space<vmem>> -> memref<80x128xf32, #tpu.memory_space<vmem>>
        %dma_wait3A_219 = arith.constant 0 : i32
        %dma_wait3A_220 = tpu.memref_slice %arg7[%mul3A_203, %dma_wait3A_219] : memref<10000x128xf32, #tpu.memory_space<vmem_shared>> -> memref<80x128xf32, #tpu.memory_space<vmem_shared>>
        %dma_wait3A_221 = arith.constant 0 : i32
        %dma_wait3A_222 = tpu.memref_slice %arg7[%mul3A_203, %dma_wait3A_221] : memref<10000x128xf32, #tpu.memory_space<vmem_shared>> -> memref<80x128xf32, #tpu.memory_space<vmem_shared>>
        %dma_wait3A_223 = arith.constant 0 : i32
        %dma_wait3A_224 = arith.constant 0 : i32
        %dma_wait3A_225 = tpu.memref_slice %arg6[%cond3A_40, %dma_wait3A_223, %dma_wait3A_224] : memref<3x80x128xf32, #tpu.memory_space<vmem>> -> memref<1x80x128xf32, #tpu.memory_space<vmem>>
        %dma_wait3A_226 = tpu.memref_squeeze %dma_wait3A_225 : memref<1x80x128xf32, #tpu.memory_space<vmem>> -> memref<80x128xf32, #tpu.memory_space<vmem>>
        tpu.wait_dma2 semaphore(%run_scoped3A : memref<!tpu.dma_semaphore, #tpu.memory_space<semaphore_mem>>) src(%dma_wait3A_226 : memref<80x128xf32, #tpu.memory_space<vmem>>) dst(%dma_wait3A_222 : memref<80x128xf32, #tpu.memory_space<vmem_shared>>)
        tpu.yield
      }) : () -> ()
    } else {
    }
    %add3A_43 = arith.constant 80 : i32
    %add3A_44 = arith.addi %arg1, %add3A_43 : i32
    %lt3A_45 = arith.constant 125 : i32
    %lt3A_46 = arith.cmpi slt, %add3A_44, %lt3A_45 : i32
    %convert_element_type3A_47 = arith.extui %lt3A_46 : i1 to i32
    %cond3A_48 = arith.constant 0 : i32
    %cond3A_49 = arith.constant 0 : i32
    %cond3A_50 = arith.cmpi ne, %convert_element_type3A_47, %cond3A_49 : i32
    scf.if %cond3A_50 {
      %mul3A_202 = arith.constant 80 : i32
      %mul3A_203 = arith.muli %add3A_44, %mul3A_202 : i32
      "tpu.region"() ({
        %run_scoped3A = tpu.sem_alloc : memref<!tpu.dma_semaphore, #tpu.memory_space<semaphore_mem>>
        %dma_start3A_204 = arith.constant 0 : i32
        %dma_start3A_205 = arith.constant 0 : i32
        %dma_start3A_206 = tpu.memref_slice %arg6[%cond3A_48, %dma_start3A_204, %dma_start3A_205] : memref<3x80x128xf32, #tpu.memory_space<vmem>> -> memref<1x80x128xf32, #tpu.memory_space<vmem>>
        %dma_start3A_207 = tpu.memref_squeeze %dma_start3A_206 : memref<1x80x128xf32, #tpu.memory_space<vmem>> -> memref<80x128xf32, #tpu.memory_space<vmem>>
        %dma_start3A_208 = arith.constant 0 : i32
        %dma_start3A_209 = tpu.memref_slice %arg7[%mul3A_203, %dma_start3A_208] : memref<10000x128xf32, #tpu.memory_space<vmem_shared>> -> memref<80x128xf32, #tpu.memory_space<vmem_shared>>
        %dma_start3A_210 = arith.constant 0 : i32
        %dma_start3A_211 = tpu.memref_slice %arg7[%mul3A_203, %dma_start3A_210] : memref<10000x128xf32, #tpu.memory_space<vmem_shared>> -> memref<80x128xf32, #tpu.memory_space<vmem_shared>>
        %dma_start3A_212 = arith.constant 0 : i32
        %dma_start3A_213 = arith.constant 0 : i32
        %dma_start3A_214 = tpu.memref_slice %arg6[%cond3A_48, %dma_start3A_212, %dma_start3A_213] : memref<3x80x128xf32, #tpu.memory_space<vmem>> -> memref<1x80x128xf32, #tpu.memory_space<vmem>>
        %dma_start3A_215 = tpu.memref_squeeze %dma_start3A_214 : memref<1x80x128xf32, #tpu.memory_space<vmem>> -> memref<80x128xf32, #tpu.memory_space<vmem>>
        tpu.enqueue_dma source(%dma_start3A_215 : memref<80x128xf32, #tpu.memory_space<vmem>>) target(%dma_start3A_211 : memref<80x128xf32, #tpu.memory_space<vmem_shared>>) target_semaphore(%run_scoped3A : memref<!tpu.dma_semaphore, #tpu.memory_space<semaphore_mem>>)
        %dma_wait3A = arith.constant 0 : i32
        %dma_wait3A_216 = arith.constant 0 : i32
        %dma_wait3A_217 = tpu.memref_slice %arg6[%cond3A_48, %dma_wait3A, %dma_wait3A_216] : memref<3x80x128xf32, #tpu.memory_space<vmem>> -> memref<1x80x128xf32, #tpu.memory_space<vmem>>
        %dma_wait3A_218 = tpu.memref_squeeze %dma_wait3A_217 : memref<1x80x128xf32, #tpu.memory_space<vmem>> -> memref<80x128xf32, #tpu.memory_space<vmem>>
        %dma_wait3A_219 = arith.constant 0 : i32
        %dma_wait3A_220 = tpu.memref_slice %arg7[%mul3A_203, %dma_wait3A_219] : memref<10000x128xf32, #tpu.memory_space<vmem_shared>> -> memref<80x128xf32, #tpu.memory_space<vmem_shared>>
        %dma_wait3A_221 = arith.constant 0 : i32
        %dma_wait3A_222 = tpu.memref_slice %arg7[%mul3A_203, %dma_wait3A_221] : memref<10000x128xf32, #tpu.memory_space<vmem_shared>> -> memref<80x128xf32, #tpu.memory_space<vmem_shared>>
        %dma_wait3A_223 = arith.constant 0 : i32
        %dma_wait3A_224 = arith.constant 0 : i32
        %dma_wait3A_225 = tpu.memref_slice %arg6[%cond3A_48, %dma_wait3A_223, %dma_wait3A_224] : memref<3x80x128xf32, #tpu.memory_space<vmem>> -> memref<1x80x128xf32, #tpu.memory_space<vmem>>
        %dma_wait3A_226 = tpu.memref_squeeze %dma_wait3A_225 : memref<1x80x128xf32, #tpu.memory_space<vmem>> -> memref<80x128xf32, #tpu.memory_space<vmem>>
        tpu.wait_dma2 semaphore(%run_scoped3A : memref<!tpu.dma_semaphore, #tpu.memory_space<semaphore_mem>>) src(%dma_wait3A_226 : memref<80x128xf32, #tpu.memory_space<vmem>>) dst(%dma_wait3A_222 : memref<80x128xf32, #tpu.memory_space<vmem_shared>>)
        tpu.yield
      }) : () -> ()
    } else {
    }
    %add3A_51 = arith.constant 96 : i32
    %add3A_52 = arith.addi %arg1, %add3A_51 : i32
    %lt3A_53 = arith.constant 125 : i32
    %lt3A_54 = arith.cmpi slt, %add3A_52, %lt3A_53 : i32
    %convert_element_type3A_55 = arith.extui %lt3A_54 : i1 to i32
    %cond3A_56 = arith.constant 0 : i32
    %cond3A_57 = arith.constant 0 : i32
    %cond3A_58 = arith.cmpi ne, %convert_element_type3A_55, %cond3A_57 : i32
    scf.if %cond3A_58 {
      %mul3A_202 = arith.constant 80 : i32
      %mul3A_203 = arith.muli %add3A_52, %mul3A_202 : i32
      "tpu.region"() ({
        %run_scoped3A = tpu.sem_alloc : memref<!tpu.dma_semaphore, #tpu.memory_space<semaphore_mem>>
        %dma_start3A_204 = arith.constant 0 : i32
        %dma_start3A_205 = arith.constant 0 : i32
        %dma_start3A_206 = tpu.memref_slice %arg6[%cond3A_56, %dma_start3A_204, %dma_start3A_205] : memref<3x80x128xf32, #tpu.memory_space<vmem>> -> memref<1x80x128xf32, #tpu.memory_space<vmem>>
        %dma_start3A_207 = tpu.memref_squeeze %dma_start3A_206 : memref<1x80x128xf32, #tpu.memory_space<vmem>> -> memref<80x128xf32, #tpu.memory_space<vmem>>
        %dma_start3A_208 = arith.constant 0 : i32
        %dma_start3A_209 = tpu.memref_slice %arg7[%mul3A_203, %dma_start3A_208] : memref<10000x128xf32, #tpu.memory_space<vmem_shared>> -> memref<80x128xf32, #tpu.memory_space<vmem_shared>>
        %dma_start3A_210 = arith.constant 0 : i32
        %dma_start3A_211 = tpu.memref_slice %arg7[%mul3A_203, %dma_start3A_210] : memref<10000x128xf32, #tpu.memory_space<vmem_shared>> -> memref<80x128xf32, #tpu.memory_space<vmem_shared>>
        %dma_start3A_212 = arith.constant 0 : i32
        %dma_start3A_213 = arith.constant 0 : i32
        %dma_start3A_214 = tpu.memref_slice %arg6[%cond3A_56, %dma_start3A_212, %dma_start3A_213] : memref<3x80x128xf32, #tpu.memory_space<vmem>> -> memref<1x80x128xf32, #tpu.memory_space<vmem>>
        %dma_start3A_215 = tpu.memref_squeeze %dma_start3A_214 : memref<1x80x128xf32, #tpu.memory_space<vmem>> -> memref<80x128xf32, #tpu.memory_space<vmem>>
        tpu.enqueue_dma source(%dma_start3A_215 : memref<80x128xf32, #tpu.memory_space<vmem>>) target(%dma_start3A_211 : memref<80x128xf32, #tpu.memory_space<vmem_shared>>) target_semaphore(%run_scoped3A : memref<!tpu.dma_semaphore, #tpu.memory_space<semaphore_mem>>)
        %dma_wait3A = arith.constant 0 : i32
        %dma_wait3A_216 = arith.constant 0 : i32
        %dma_wait3A_217 = tpu.memref_slice %arg6[%cond3A_56, %dma_wait3A, %dma_wait3A_216] : memref<3x80x128xf32, #tpu.memory_space<vmem>> -> memref<1x80x128xf32, #tpu.memory_space<vmem>>
        %dma_wait3A_218 = tpu.memref_squeeze %dma_wait3A_217 : memref<1x80x128xf32, #tpu.memory_space<vmem>> -> memref<80x128xf32, #tpu.memory_space<vmem>>
        %dma_wait3A_219 = arith.constant 0 : i32
        %dma_wait3A_220 = tpu.memref_slice %arg7[%mul3A_203, %dma_wait3A_219] : memref<10000x128xf32, #tpu.memory_space<vmem_shared>> -> memref<80x128xf32, #tpu.memory_space<vmem_shared>>
        %dma_wait3A_221 = arith.constant 0 : i32
        %dma_wait3A_222 = tpu.memref_slice %arg7[%mul3A_203, %dma_wait3A_221] : memref<10000x128xf32, #tpu.memory_space<vmem_shared>> -> memref<80x128xf32, #tpu.memory_space<vmem_shared>>
        %dma_wait3A_223 = arith.constant 0 : i32
        %dma_wait3A_224 = arith.constant 0 : i32
        %dma_wait3A_225 = tpu.memref_slice %arg6[%cond3A_56, %dma_wait3A_223, %dma_wait3A_224] : memref<3x80x128xf32, #tpu.memory_space<vmem>> -> memref<1x80x128xf32, #tpu.memory_space<vmem>>
        %dma_wait3A_226 = tpu.memref_squeeze %dma_wait3A_225 : memref<1x80x128xf32, #tpu.memory_space<vmem>> -> memref<80x128xf32, #tpu.memory_space<vmem>>
        tpu.wait_dma2 semaphore(%run_scoped3A : memref<!tpu.dma_semaphore, #tpu.memory_space<semaphore_mem>>) src(%dma_wait3A_226 : memref<80x128xf32, #tpu.memory_space<vmem>>) dst(%dma_wait3A_222 : memref<80x128xf32, #tpu.memory_space<vmem_shared>>)
        tpu.yield
      }) : () -> ()
    } else {
    }
    %add3A_59 = arith.constant 112 : i32
    %add3A_60 = arith.addi %arg1, %add3A_59 : i32
    %lt3A_61 = arith.constant 125 : i32
    %lt3A_62 = arith.cmpi slt, %add3A_60, %lt3A_61 : i32
    %convert_element_type3A_63 = arith.extui %lt3A_62 : i1 to i32
    %cond3A_64 = arith.constant 0 : i32
    %cond3A_65 = arith.constant 0 : i32
    %cond3A_66 = arith.cmpi ne, %convert_element_type3A_63, %cond3A_65 : i32
    scf.if %cond3A_66 {
      %mul3A_202 = arith.constant 80 : i32
      %mul3A_203 = arith.muli %add3A_60, %mul3A_202 : i32
      "tpu.region"() ({
        %run_scoped3A = tpu.sem_alloc : memref<!tpu.dma_semaphore, #tpu.memory_space<semaphore_mem>>
        %dma_start3A_204 = arith.constant 0 : i32
        %dma_start3A_205 = arith.constant 0 : i32
        %dma_start3A_206 = tpu.memref_slice %arg6[%cond3A_64, %dma_start3A_204, %dma_start3A_205] : memref<3x80x128xf32, #tpu.memory_space<vmem>> -> memref<1x80x128xf32, #tpu.memory_space<vmem>>
        %dma_start3A_207 = tpu.memref_squeeze %dma_start3A_206 : memref<1x80x128xf32, #tpu.memory_space<vmem>> -> memref<80x128xf32, #tpu.memory_space<vmem>>
        %dma_start3A_208 = arith.constant 0 : i32
        %dma_start3A_209 = tpu.memref_slice %arg7[%mul3A_203, %dma_start3A_208] : memref<10000x128xf32, #tpu.memory_space<vmem_shared>> -> memref<80x128xf32, #tpu.memory_space<vmem_shared>>
        %dma_start3A_210 = arith.constant 0 : i32
        %dma_start3A_211 = tpu.memref_slice %arg7[%mul3A_203, %dma_start3A_210] : memref<10000x128xf32, #tpu.memory_space<vmem_shared>> -> memref<80x128xf32, #tpu.memory_space<vmem_shared>>
        %dma_start3A_212 = arith.constant 0 : i32
        %dma_start3A_213 = arith.constant 0 : i32
        %dma_start3A_214 = tpu.memref_slice %arg6[%cond3A_64, %dma_start3A_212, %dma_start3A_213] : memref<3x80x128xf32, #tpu.memory_space<vmem>> -> memref<1x80x128xf32, #tpu.memory_space<vmem>>
        %dma_start3A_215 = tpu.memref_squeeze %dma_start3A_214 : memref<1x80x128xf32, #tpu.memory_space<vmem>> -> memref<80x128xf32, #tpu.memory_space<vmem>>
        tpu.enqueue_dma source(%dma_start3A_215 : memref<80x128xf32, #tpu.memory_space<vmem>>) target(%dma_start3A_211 : memref<80x128xf32, #tpu.memory_space<vmem_shared>>) target_semaphore(%run_scoped3A : memref<!tpu.dma_semaphore, #tpu.memory_space<semaphore_mem>>)
        %dma_wait3A = arith.constant 0 : i32
        %dma_wait3A_216 = arith.constant 0 : i32
        %dma_wait3A_217 = tpu.memref_slice %arg6[%cond3A_64, %dma_wait3A, %dma_wait3A_216] : memref<3x80x128xf32, #tpu.memory_space<vmem>> -> memref<1x80x128xf32, #tpu.memory_space<vmem>>
        %dma_wait3A_218 = tpu.memref_squeeze %dma_wait3A_217 : memref<1x80x128xf32, #tpu.memory_space<vmem>> -> memref<80x128xf32, #tpu.memory_space<vmem>>
        %dma_wait3A_219 = arith.constant 0 : i32
        %dma_wait3A_220 = tpu.memref_slice %arg7[%mul3A_203, %dma_wait3A_219] : memref<10000x128xf32, #tpu.memory_space<vmem_shared>> -> memref<80x128xf32, #tpu.memory_space<vmem_shared>>
        %dma_wait3A_221 = arith.constant 0 : i32
        %dma_wait3A_222 = tpu.memref_slice %arg7[%mul3A_203, %dma_wait3A_221] : memref<10000x128xf32, #tpu.memory_space<vmem_shared>> -> memref<80x128xf32, #tpu.memory_space<vmem_shared>>
        %dma_wait3A_223 = arith.constant 0 : i32
        %dma_wait3A_224 = arith.constant 0 : i32
        %dma_wait3A_225 = tpu.memref_slice %arg6[%cond3A_64, %dma_wait3A_223, %dma_wait3A_224] : memref<3x80x128xf32, #tpu.memory_space<vmem>> -> memref<1x80x128xf32, #tpu.memory_space<vmem>>
        %dma_wait3A_226 = tpu.memref_squeeze %dma_wait3A_225 : memref<1x80x128xf32, #tpu.memory_space<vmem>> -> memref<80x128xf32, #tpu.memory_space<vmem>>
        tpu.wait_dma2 semaphore(%run_scoped3A : memref<!tpu.dma_semaphore, #tpu.memory_space<semaphore_mem>>) src(%dma_wait3A_226 : memref<80x128xf32, #tpu.memory_space<vmem>>) dst(%dma_wait3A_222 : memref<80x128xf32, #tpu.memory_space<vmem_shared>>)
        tpu.yield
      }) : () -> ()
    } else {
    }
    %barrier3A = arith.constant 0 : index
    tpu.barrier barrier_id(%barrier3A)
    "tpu.region"() ({
      %run_scoped3A = tpu.sem_alloc : memref<!tpu.dma_semaphore, #tpu.memory_space<semaphore_mem>>
      %dma_start3A_202 = arith.constant 0 : i32
      %dma_start3A_203 = arith.constant 0 : i32
      %dma_start3A_204 = tpu.memref_slice %arg3[%arg1, %dma_start3A_202, %dma_start3A_203] : memref<16x125x80xi32, #tpu.memory_space<hbm>> -> memref<1x125x80xi32, #tpu.memory_space<hbm>>
      %dma_start3A_205 = tpu.memref_squeeze %dma_start3A_204 : memref<1x125x80xi32, #tpu.memory_space<hbm>> -> memref<125x80xi32, #tpu.memory_space<hbm>>
      %dma_start3A_206 = arith.constant 0 : i32
      %dma_start3A_207 = arith.constant 0 : i32
      %dma_start3A_208 = tpu.memref_slice %arg3[%arg1, %dma_start3A_206, %dma_start3A_207] : memref<16x125x80xi32, #tpu.memory_space<hbm>> -> memref<1x125x80xi32, #tpu.memory_space<hbm>>
      %dma_start3A_209 = tpu.memref_squeeze %dma_start3A_208 : memref<1x125x80xi32, #tpu.memory_space<hbm>> -> memref<125x80xi32, #tpu.memory_space<hbm>>
      tpu.enqueue_dma source(%dma_start3A_209 : memref<125x80xi32, #tpu.memory_space<hbm>>) target(%arg5 : memref<125x80xi32, #tpu.memory_space<vmem>>) target_semaphore(%run_scoped3A : memref<!tpu.dma_semaphore, #tpu.memory_space<semaphore_mem>>)
      %dma_wait3A = arith.constant 0 : i32
      %dma_wait3A_210 = arith.constant 0 : i32
      %dma_wait3A_211 = tpu.memref_slice %arg3[%arg1, %dma_wait3A, %dma_wait3A_210] : memref<16x125x80xi32, #tpu.memory_space<hbm>> -> memref<1x125x80xi32, #tpu.memory_space<hbm>>
      %dma_wait3A_212 = tpu.memref_squeeze %dma_wait3A_211 : memref<1x125x80xi32, #tpu.memory_space<hbm>> -> memref<125x80xi32, #tpu.memory_space<hbm>>
      %dma_wait3A_213 = arith.constant 0 : i32
      %dma_wait3A_214 = arith.constant 0 : i32
      %dma_wait3A_215 = tpu.memref_slice %arg3[%arg1, %dma_wait3A_213, %dma_wait3A_214] : memref<16x125x80xi32, #tpu.memory_space<hbm>> -> memref<1x125x80xi32, #tpu.memory_space<hbm>>
      %dma_wait3A_216 = tpu.memref_squeeze %dma_wait3A_215 : memref<1x125x80xi32, #tpu.memory_space<hbm>> -> memref<125x80xi32, #tpu.memory_space<hbm>>
      tpu.wait_dma2 semaphore(%run_scoped3A : memref<!tpu.dma_semaphore, #tpu.memory_space<semaphore_mem>>) src(%dma_wait3A_216 : memref<125x80xi32, #tpu.memory_space<hbm>>) dst(%arg5 : memref<125x80xi32, #tpu.memory_space<vmem>>)
      tpu.yield
    }) : () -> ()
    %mul3A = arith.constant 125 : i32
    %mul3A_67 = arith.muli %arg1, %mul3A : i32
    %add3A_68 = arith.constant 0 : i32
    %add3A_69 = arith.addi %mul3A_67, %add3A_68 : i32
    %mul3A_70 = arith.constant 80 : i32
    %mul3A_71 = arith.muli %add3A_69, %mul3A_70 : i32
    %multiple_of3A = tpu.assume_multiple %mul3A_71, 80 : i32
    %dma_start3A = arith.constant 0 : i32
    %dma_start3A_72 = arith.constant 0 : i32
    %dma_start3A_73 = arith.constant 0 : i32
    %dma_start3A_74 = arith.constant 0 : i32
    %dma_start3A_75 = tpu.memref_slice %arg6[%dma_start3A, %dma_start3A_73, %dma_start3A_74] : memref<3x80x128xf32, #tpu.memory_space<vmem>> -> memref<1x80x128xf32, #tpu.memory_space<vmem>>
    %dma_start3A_76 = tpu.memref_squeeze %dma_start3A_75 : memref<1x80x128xf32, #tpu.memory_space<vmem>> -> memref<80x128xf32, #tpu.memory_space<vmem>>
    %dma_start3A_77 = arith.constant 0 : i32
    %dma_start3A_78 = tpu.memref_slice %arg2[%arg0, %multiple_of3A, %dma_start3A_77] : memref<2x160000x128xf32, #tpu.memory_space<hbm>> -> memref<1x80x128xf32, #tpu.memory_space<hbm>>
    %dma_start3A_79 = tpu.memref_squeeze %dma_start3A_78 : memref<1x80x128xf32, #tpu.memory_space<hbm>> -> memref<80x128xf32, #tpu.memory_space<hbm>>
    %dma_start3A_80 = tpu.memref_slice %arg8[%dma_start3A_72] : memref<3x!tpu.dma_semaphore, #tpu.memory_space<semaphore_mem>> -> memref<1x!tpu.dma_semaphore, #tpu.memory_space<semaphore_mem>>
    %dma_start3A_81 = tpu.memref_squeeze %dma_start3A_80 : memref<1x!tpu.dma_semaphore, #tpu.memory_space<semaphore_mem>> -> memref<!tpu.dma_semaphore, #tpu.memory_space<semaphore_mem>>
    %dma_start3A_82 = arith.constant 0 : i32
    %dma_start3A_83 = arith.constant 0 : i32
    %dma_start3A_84 = tpu.memref_slice %arg6[%dma_start3A, %dma_start3A_82, %dma_start3A_83] : memref<3x80x128xf32, #tpu.memory_space<vmem>> -> memref<1x80x128xf32, #tpu.memory_space<vmem>>
    %dma_start3A_85 = tpu.memref_squeeze %dma_start3A_84 : memref<1x80x128xf32, #tpu.memory_space<vmem>> -> memref<80x128xf32, #tpu.memory_space<vmem>>
    %dma_start3A_86 = arith.constant 0 : i32
    %dma_start3A_87 = tpu.memref_slice %arg2[%arg0, %multiple_of3A, %dma_start3A_86] : memref<2x160000x128xf32, #tpu.memory_space<hbm>> -> memref<1x80x128xf32, #tpu.memory_space<hbm>>
    %dma_start3A_88 = tpu.memref_squeeze %dma_start3A_87 : memref<1x80x128xf32, #tpu.memory_space<hbm>> -> memref<80x128xf32, #tpu.memory_space<hbm>>
    tpu.enqueue_dma source(%dma_start3A_88 : memref<80x128xf32, #tpu.memory_space<hbm>>) target(%dma_start3A_85 : memref<80x128xf32, #tpu.memory_space<vmem>>) target_semaphore(%dma_start3A_81 : memref<!tpu.dma_semaphore, #tpu.memory_space<semaphore_mem>>)
    %mul3A_89 = arith.constant 125 : i32
    %mul3A_90 = arith.muli %arg1, %mul3A_89 : i32
    %add3A_91 = arith.constant 1 : i32
    %add3A_92 = arith.addi %mul3A_90, %add3A_91 : i32
    %mul3A_93 = arith.constant 80 : i32
    %mul3A_94 = arith.muli %add3A_92, %mul3A_93 : i32
    %multiple_of3A_95 = tpu.assume_multiple %mul3A_94, 80 : i32
    %dma_start3A_96 = arith.constant 1 : i32
    %dma_start3A_97 = arith.constant 1 : i32
    %dma_start3A_98 = arith.constant 0 : i32
    %dma_start3A_99 = arith.constant 0 : i32
    %dma_start3A_100 = tpu.memref_slice %arg6[%dma_start3A_96, %dma_start3A_98, %dma_start3A_99] : memref<3x80x128xf32, #tpu.memory_space<vmem>> -> memref<1x80x128xf32, #tpu.memory_space<vmem>>
    %dma_start3A_101 = tpu.memref_squeeze %dma_start3A_100 : memref<1x80x128xf32, #tpu.memory_space<vmem>> -> memref<80x128xf32, #tpu.memory_space<vmem>>
    %dma_start3A_102 = arith.constant 0 : i32
    %dma_start3A_103 = tpu.memref_slice %arg2[%arg0, %multiple_of3A_95, %dma_start3A_102] : memref<2x160000x128xf32, #tpu.memory_space<hbm>> -> memref<1x80x128xf32, #tpu.memory_space<hbm>>
    %dma_start3A_104 = tpu.memref_squeeze %dma_start3A_103 : memref<1x80x128xf32, #tpu.memory_space<hbm>> -> memref<80x128xf32, #tpu.memory_space<hbm>>
    %dma_start3A_105 = tpu.memref_slice %arg8[%dma_start3A_97] : memref<3x!tpu.dma_semaphore, #tpu.memory_space<semaphore_mem>> -> memref<1x!tpu.dma_semaphore, #tpu.memory_space<semaphore_mem>>
    %dma_start3A_106 = tpu.memref_squeeze %dma_start3A_105 : memref<1x!tpu.dma_semaphore, #tpu.memory_space<semaphore_mem>> -> memref<!tpu.dma_semaphore, #tpu.memory_space<semaphore_mem>>
    %dma_start3A_107 = arith.constant 0 : i32
    %dma_start3A_108 = arith.constant 0 : i32
    %dma_start3A_109 = tpu.memref_slice %arg6[%dma_start3A_96, %dma_start3A_107, %dma_start3A_108] : memref<3x80x128xf32, #tpu.memory_space<vmem>> -> memref<1x80x128xf32, #tpu.memory_space<vmem>>
    %dma_start3A_110 = tpu.memref_squeeze %dma_start3A_109 : memref<1x80x128xf32, #tpu.memory_space<vmem>> -> memref<80x128xf32, #tpu.memory_space<vmem>>
    %dma_start3A_111 = arith.constant 0 : i32
    %dma_start3A_112 = tpu.memref_slice %arg2[%arg0, %multiple_of3A_95, %dma_start3A_111] : memref<2x160000x128xf32, #tpu.memory_space<hbm>> -> memref<1x80x128xf32, #tpu.memory_space<hbm>>
    %dma_start3A_113 = tpu.memref_squeeze %dma_start3A_112 : memref<1x80x128xf32, #tpu.memory_space<hbm>> -> memref<80x128xf32, #tpu.memory_space<hbm>>
    tpu.enqueue_dma source(%dma_start3A_113 : memref<80x128xf32, #tpu.memory_space<hbm>>) target(%dma_start3A_110 : memref<80x128xf32, #tpu.memory_space<vmem>>) target_semaphore(%dma_start3A_106 : memref<!tpu.dma_semaphore, #tpu.memory_space<semaphore_mem>>)
    %mul3A_114 = arith.constant 125 : i32
    %mul3A_115 = arith.muli %arg1, %mul3A_114 : i32
    %add3A_116 = arith.constant 2 : i32
    %add3A_117 = arith.addi %mul3A_115, %add3A_116 : i32
    %mul3A_118 = arith.constant 80 : i32
    %mul3A_119 = arith.muli %add3A_117, %mul3A_118 : i32
    %multiple_of3A_120 = tpu.assume_multiple %mul3A_119, 80 : i32
    %dma_start3A_121 = arith.constant 2 : i32
    %dma_start3A_122 = arith.constant 2 : i32
    %dma_start3A_123 = arith.constant 0 : i32
    %dma_start3A_124 = arith.constant 0 : i32
    %dma_start3A_125 = tpu.memref_slice %arg6[%dma_start3A_121, %dma_start3A_123, %dma_start3A_124] : memref<3x80x128xf32, #tpu.memory_space<vmem>> -> memref<1x80x128xf32, #tpu.memory_space<vmem>>
    %dma_start3A_126 = tpu.memref_squeeze %dma_start3A_125 : memref<1x80x128xf32, #tpu.memory_space<vmem>> -> memref<80x128xf32, #tpu.memory_space<vmem>>
    %dma_start3A_127 = arith.constant 0 : i32
    %dma_start3A_128 = tpu.memref_slice %arg2[%arg0, %multiple_of3A_120, %dma_start3A_127] : memref<2x160000x128xf32, #tpu.memory_space<hbm>> -> memref<1x80x128xf32, #tpu.memory_space<hbm>>
    %dma_start3A_129 = tpu.memref_squeeze %dma_start3A_128 : memref<1x80x128xf32, #tpu.memory_space<hbm>> -> memref<80x128xf32, #tpu.memory_space<hbm>>
    %dma_start3A_130 = tpu.memref_slice %arg8[%dma_start3A_122] : memref<3x!tpu.dma_semaphore, #tpu.memory_space<semaphore_mem>> -> memref<1x!tpu.dma_semaphore, #tpu.memory_space<semaphore_mem>>
    %dma_start3A_131 = tpu.memref_squeeze %dma_start3A_130 : memref<1x!tpu.dma_semaphore, #tpu.memory_space<semaphore_mem>> -> memref<!tpu.dma_semaphore, #tpu.memory_space<semaphore_mem>>
    %dma_start3A_132 = arith.constant 0 : i32
    %dma_start3A_133 = arith.constant 0 : i32
    %dma_start3A_134 = tpu.memref_slice %arg6[%dma_start3A_121, %dma_start3A_132, %dma_start3A_133] : memref<3x80x128xf32, #tpu.memory_space<vmem>> -> memref<1x80x128xf32, #tpu.memory_space<vmem>>
    %dma_start3A_135 = tpu.memref_squeeze %dma_start3A_134 : memref<1x80x128xf32, #tpu.memory_space<vmem>> -> memref<80x128xf32, #tpu.memory_space<vmem>>
    %dma_start3A_136 = arith.constant 0 : i32
    %dma_start3A_137 = tpu.memref_slice %arg2[%arg0, %multiple_of3A_120, %dma_start3A_136] : memref<2x160000x128xf32, #tpu.memory_space<hbm>> -> memref<1x80x128xf32, #tpu.memory_space<hbm>>
    %dma_start3A_138 = tpu.memref_squeeze %dma_start3A_137 : memref<1x80x128xf32, #tpu.memory_space<hbm>> -> memref<80x128xf32, #tpu.memory_space<hbm>>
    tpu.enqueue_dma source(%dma_start3A_138 : memref<80x128xf32, #tpu.memory_space<hbm>>) target(%dma_start3A_135 : memref<80x128xf32, #tpu.memory_space<vmem>>) target_semaphore(%dma_start3A_131 : memref<!tpu.dma_semaphore, #tpu.memory_space<semaphore_mem>>)
    %scan3A_139 = arith.constant 0 : i32
    %scan3A_140 = arith.constant 0 : i32
    %scan3A_141 = arith.constant 42 : i32
    %scan3A_142 = arith.addi %scan3A_140, %scan3A_141 : i32
    %scan3A_143 = arith.constant 1 : i32
    scf.for %scan3A_202 = %scan3A_140 to %scan3A_142 step %scan3A_143  : i32 {
      %mul3A_203 = arith.constant 3 : i32
      %mul3A_204 = arith.muli %scan3A_202, %mul3A_203 : i32
      %add3A_205 = arith.constant 0 : i32
      %add3A_206 = arith.addi %mul3A_204, %add3A_205 : i32
      %lt3A_207 = arith.constant 125 : i32
      %lt3A_208 = arith.cmpi slt, %add3A_206, %lt3A_207 : i32
      %convert_element_type3A_209 = arith.extui %lt3A_208 : i1 to i32
      %cond3A_210 = arith.constant 0 : i32
      %cond3A_211 = arith.cmpi ne, %convert_element_type3A_209, %cond3A_210 : i32
      scf.if %cond3A_211 {
        %mul3A_230 = arith.constant 125 : i32
        %mul3A_231 = arith.muli %arg1, %mul3A_230 : i32
        %add3A_232 = arith.addi %mul3A_231, %add3A_206 : i32
        %mul3A_233 = arith.constant 80 : i32
        %mul3A_234 = arith.muli %add3A_232, %mul3A_233 : i32
        %multiple_of3A_235 = tpu.assume_multiple %mul3A_234, 80 : i32
        %dma_wait3A = arith.constant 0 : i32
        %dma_wait3A_236 = arith.constant 0 : i32
        %dma_wait3A_237 = arith.constant 0 : i32
        %dma_wait3A_238 = arith.constant 0 : i32
        %dma_wait3A_239 = tpu.memref_slice %arg6[%dma_wait3A, %dma_wait3A_237, %dma_wait3A_238] : memref<3x80x128xf32, #tpu.memory_space<vmem>> -> memref<1x80x128xf32, #tpu.memory_space<vmem>>
        %dma_wait3A_240 = tpu.memref_squeeze %dma_wait3A_239 : memref<1x80x128xf32, #tpu.memory_space<vmem>> -> memref<80x128xf32, #tpu.memory_space<vmem>>
        %dma_wait3A_241 = arith.constant 0 : i32
        %dma_wait3A_242 = tpu.memref_slice %arg2[%arg0, %multiple_of3A_235, %dma_wait3A_241] : memref<2x160000x128xf32, #tpu.memory_space<hbm>> -> memref<1x80x128xf32, #tpu.memory_space<hbm>>
        %dma_wait3A_243 = tpu.memref_squeeze %dma_wait3A_242 : memref<1x80x128xf32, #tpu.memory_space<hbm>> -> memref<80x128xf32, #tpu.memory_space<hbm>>
        %dma_wait3A_244 = tpu.memref_slice %arg8[%dma_wait3A_236] : memref<3x!tpu.dma_semaphore, #tpu.memory_space<semaphore_mem>> -> memref<1x!tpu.dma_semaphore, #tpu.memory_space<semaphore_mem>>
        %dma_wait3A_245 = tpu.memref_squeeze %dma_wait3A_244 : memref<1x!tpu.dma_semaphore, #tpu.memory_space<semaphore_mem>> -> memref<!tpu.dma_semaphore, #tpu.memory_space<semaphore_mem>>
        %dma_wait3A_246 = arith.constant 0 : i32
        %dma_wait3A_247 = arith.constant 0 : i32
        %dma_wait3A_248 = tpu.memref_slice %arg6[%dma_wait3A, %dma_wait3A_246, %dma_wait3A_247] : memref<3x80x128xf32, #tpu.memory_space<vmem>> -> memref<1x80x128xf32, #tpu.memory_space<vmem>>
        %dma_wait3A_249 = tpu.memref_squeeze %dma_wait3A_248 : memref<1x80x128xf32, #tpu.memory_space<vmem>> -> memref<80x128xf32, #tpu.memory_space<vmem>>
        %dma_wait3A_250 = arith.constant 0 : i32
        %dma_wait3A_251 = tpu.memref_slice %arg2[%arg0, %multiple_of3A_235, %dma_wait3A_250] : memref<2x160000x128xf32, #tpu.memory_space<hbm>> -> memref<1x80x128xf32, #tpu.memory_space<hbm>>
        %dma_wait3A_252 = tpu.memref_squeeze %dma_wait3A_251 : memref<1x80x128xf32, #tpu.memory_space<hbm>> -> memref<80x128xf32, #tpu.memory_space<hbm>>
        tpu.wait_dma2 semaphore(%dma_wait3A_245 : memref<!tpu.dma_semaphore, #tpu.memory_space<semaphore_mem>>) src(%dma_wait3A_252 : memref<80x128xf32, #tpu.memory_space<hbm>>) dst(%dma_wait3A_249 : memref<80x128xf32, #tpu.memory_space<vmem>>)
        %run_scoped3A = arith.constant 0 : i32
        "tpu.region"() ({
          %run_scoped3A_260 = tpu.sem_alloc : memref<!tpu.dma_semaphore, #tpu.memory_space<semaphore_mem>>
          %dma_start3A_261 = arith.constant 0 : i32
          %dma_start3A_262 = arith.constant 0 : i32
          %dma_start3A_263 = tpu.memref_slice %arg6[%run_scoped3A, %dma_start3A_261, %dma_start3A_262] : memref<3x80x128xf32, #tpu.memory_space<vmem>> -> memref<1x80x128xf32, #tpu.memory_space<vmem>>
          %dma_start3A_264 = tpu.memref_squeeze %dma_start3A_263 : memref<1x80x128xf32, #tpu.memory_space<vmem>> -> memref<80x128xf32, #tpu.memory_space<vmem>>
          %dma_start3A_265 = arith.constant 0 : i32
          %dma_start3A_266 = tpu.memref_slice %arg5[%add3A_206, %dma_start3A_265] : memref<125x80xi32, #tpu.memory_space<vmem>> -> memref<1x80xi32, #tpu.memory_space<vmem>>
          %dma_start3A_267 = tpu.memref_squeeze %dma_start3A_266 : memref<1x80xi32, #tpu.memory_space<vmem>> -> memref<80xi32, #tpu.memory_space<vmem>>
          %dma_start3A_268 = arith.constant 0 : i32
          %dma_start3A_269 = arith.constant 0 : i32
          %dma_start3A_270 = tpu.memref_slice %arg7[%dma_start3A_268, %dma_start3A_269] : memref<10000x128xf32, #tpu.memory_space<vmem_shared>> -> memref<10000x128xf32, #tpu.memory_space<vmem_shared>>
          tpu.enqueue_indirect_dma source(%dma_start3A_264 : memref<80x128xf32, #tpu.memory_space<vmem>>) target(%dma_start3A_270 : memref<10000x128xf32, #tpu.memory_space<vmem_shared>>) offsets(%dma_start3A_267 : memref<80xi32, #tpu.memory_space<vmem>>) semaphore(%run_scoped3A_260 : memref<!tpu.dma_semaphore, #tpu.memory_space<semaphore_mem>>) {add = true}
          %dma_wait3A_271 = arith.constant 0 : i32
          %dma_wait3A_272 = arith.constant 0 : i32
          %dma_wait3A_273 = tpu.memref_slice %arg6[%run_scoped3A, %dma_wait3A_271, %dma_wait3A_272] : memref<3x80x128xf32, #tpu.memory_space<vmem>> -> memref<1x80x128xf32, #tpu.memory_space<vmem>>
          %dma_wait3A_274 = tpu.memref_squeeze %dma_wait3A_273 : memref<1x80x128xf32, #tpu.memory_space<vmem>> -> memref<80x128xf32, #tpu.memory_space<vmem>>
          %dma_wait3A_275 = arith.constant 0 : i32
          %dma_wait3A_276 = tpu.memref_slice %arg5[%add3A_206, %dma_wait3A_275] : memref<125x80xi32, #tpu.memory_space<vmem>> -> memref<1x80xi32, #tpu.memory_space<vmem>>
          %dma_wait3A_277 = tpu.memref_squeeze %dma_wait3A_276 : memref<1x80xi32, #tpu.memory_space<vmem>> -> memref<80xi32, #tpu.memory_space<vmem>>
          %dma_wait3A_278 = arith.constant 0 : i32
          %dma_wait3A_279 = arith.constant 0 : i32
          %dma_wait3A_280 = tpu.memref_slice %arg7[%dma_wait3A_278, %dma_wait3A_279] : memref<10000x128xf32, #tpu.memory_space<vmem_shared>> -> memref<10000x128xf32, #tpu.memory_space<vmem_shared>>
          tpu.wait_indirect_dma semaphore(%run_scoped3A_260 : memref<!tpu.dma_semaphore, #tpu.memory_space<semaphore_mem>>) src(%dma_wait3A_274 : memref<80x128xf32, #tpu.memory_space<vmem>>) dst(%dma_wait3A_280 : memref<10000x128xf32, #tpu.memory_space<vmem_shared>>)
          tpu.yield
        }) : () -> ()
        %add3A_253 = arith.constant 3 : i32
        %add3A_254 = arith.addi %add3A_206, %add3A_253 : i32
        %lt3A_255 = arith.constant 125 : i32
        %lt3A_256 = arith.cmpi slt, %add3A_254, %lt3A_255 : i32
        %convert_element_type3A_257 = arith.extui %lt3A_256 : i1 to i32
        %cond3A_258 = arith.constant 0 : i32
        %cond3A_259 = arith.cmpi ne, %convert_element_type3A_257, %cond3A_258 : i32
        scf.if %cond3A_259 {
          %add3A_260 = arith.constant 3 : i32
          %add3A_261 = arith.addi %add3A_206, %add3A_260 : i32
          %mul3A_262 = arith.constant 125 : i32
          %mul3A_263 = arith.muli %arg1, %mul3A_262 : i32
          %add3A_264 = arith.addi %mul3A_263, %add3A_261 : i32
          %mul3A_265 = arith.constant 80 : i32
          %mul3A_266 = arith.muli %add3A_264, %mul3A_265 : i32
          %multiple_of3A_267 = tpu.assume_multiple %mul3A_266, 80 : i32
          %dma_start3A_268 = arith.constant 0 : i32
          %dma_start3A_269 = arith.constant 0 : i32
          %dma_start3A_270 = arith.constant 0 : i32
          %dma_start3A_271 = arith.constant 0 : i32
          %dma_start3A_272 = tpu.memref_slice %arg6[%dma_start3A_268, %dma_start3A_270, %dma_start3A_271] : memref<3x80x128xf32, #tpu.memory_space<vmem>> -> memref<1x80x128xf32, #tpu.memory_space<vmem>>
          %dma_start3A_273 = tpu.memref_squeeze %dma_start3A_272 : memref<1x80x128xf32, #tpu.memory_space<vmem>> -> memref<80x128xf32, #tpu.memory_space<vmem>>
          %dma_start3A_274 = arith.constant 0 : i32
          %dma_start3A_275 = tpu.memref_slice %arg2[%arg0, %multiple_of3A_267, %dma_start3A_274] : memref<2x160000x128xf32, #tpu.memory_space<hbm>> -> memref<1x80x128xf32, #tpu.memory_space<hbm>>
          %dma_start3A_276 = tpu.memref_squeeze %dma_start3A_275 : memref<1x80x128xf32, #tpu.memory_space<hbm>> -> memref<80x128xf32, #tpu.memory_space<hbm>>
          %dma_start3A_277 = tpu.memref_slice %arg8[%dma_start3A_269] : memref<3x!tpu.dma_semaphore, #tpu.memory_space<semaphore_mem>> -> memref<1x!tpu.dma_semaphore, #tpu.memory_space<semaphore_mem>>
          %dma_start3A_278 = tpu.memref_squeeze %dma_start3A_277 : memref<1x!tpu.dma_semaphore, #tpu.memory_space<semaphore_mem>> -> memref<!tpu.dma_semaphore, #tpu.memory_space<semaphore_mem>>
          %dma_start3A_279 = arith.constant 0 : i32
          %dma_start3A_280 = arith.constant 0 : i32
          %dma_start3A_281 = tpu.memref_slice %arg6[%dma_start3A_268, %dma_start3A_279, %dma_start3A_280] : memref<3x80x128xf32, #tpu.memory_space<vmem>> -> memref<1x80x128xf32, #tpu.memory_space<vmem>>
          %dma_start3A_282 = tpu.memref_squeeze %dma_start3A_281 : memref<1x80x128xf32, #tpu.memory_space<vmem>> -> memref<80x128xf32, #tpu.memory_space<vmem>>
          %dma_start3A_283 = arith.constant 0 : i32
          %dma_start3A_284 = tpu.memref_slice %arg2[%arg0, %multiple_of3A_267, %dma_start3A_283] : memref<2x160000x128xf32, #tpu.memory_space<hbm>> -> memref<1x80x128xf32, #tpu.memory_space<hbm>>
          %dma_start3A_285 = tpu.memref_squeeze %dma_start3A_284 : memref<1x80x128xf32, #tpu.memory_space<hbm>> -> memref<80x128xf32, #tpu.memory_space<hbm>>
          tpu.enqueue_dma source(%dma_start3A_285 : memref<80x128xf32, #tpu.memory_space<hbm>>) target(%dma_start3A_282 : memref<80x128xf32, #tpu.memory_space<vmem>>) target_semaphore(%dma_start3A_278 : memref<!tpu.dma_semaphore, #tpu.memory_space<semaphore_mem>>)
        } else {
        }
      } else {
      }
      %mul3A_212 = arith.constant 3 : i32
      %mul3A_213 = arith.muli %scan3A_202, %mul3A_212 : i32
      %add3A_214 = arith.constant 1 : i32
      %add3A_215 = arith.addi %mul3A_213, %add3A_214 : i32
      %lt3A_216 = arith.constant 125 : i32
      %lt3A_217 = arith.cmpi slt, %add3A_215, %lt3A_216 : i32
      %convert_element_type3A_218 = arith.extui %lt3A_217 : i1 to i32
      %cond3A_219 = arith.constant 0 : i32
      %cond3A_220 = arith.cmpi ne, %convert_element_type3A_218, %cond3A_219 : i32
      scf.if %cond3A_220 {
        %mul3A_230 = arith.constant 125 : i32
        %mul3A_231 = arith.muli %arg1, %mul3A_230 : i32
        %add3A_232 = arith.addi %mul3A_231, %add3A_215 : i32
        %mul3A_233 = arith.constant 80 : i32
        %mul3A_234 = arith.muli %add3A_232, %mul3A_233 : i32
        %multiple_of3A_235 = tpu.assume_multiple %mul3A_234, 80 : i32
        %dma_wait3A = arith.constant 1 : i32
        %dma_wait3A_236 = arith.constant 1 : i32
        %dma_wait3A_237 = arith.constant 0 : i32
        %dma_wait3A_238 = arith.constant 0 : i32
        %dma_wait3A_239 = tpu.memref_slice %arg6[%dma_wait3A, %dma_wait3A_237, %dma_wait3A_238] : memref<3x80x128xf32, #tpu.memory_space<vmem>> -> memref<1x80x128xf32, #tpu.memory_space<vmem>>
        %dma_wait3A_240 = tpu.memref_squeeze %dma_wait3A_239 : memref<1x80x128xf32, #tpu.memory_space<vmem>> -> memref<80x128xf32, #tpu.memory_space<vmem>>
        %dma_wait3A_241 = arith.constant 0 : i32
        %dma_wait3A_242 = tpu.memref_slice %arg2[%arg0, %multiple_of3A_235, %dma_wait3A_241] : memref<2x160000x128xf32, #tpu.memory_space<hbm>> -> memref<1x80x128xf32, #tpu.memory_space<hbm>>
        %dma_wait3A_243 = tpu.memref_squeeze %dma_wait3A_242 : memref<1x80x128xf32, #tpu.memory_space<hbm>> -> memref<80x128xf32, #tpu.memory_space<hbm>>
        %dma_wait3A_244 = tpu.memref_slice %arg8[%dma_wait3A_236] : memref<3x!tpu.dma_semaphore, #tpu.memory_space<semaphore_mem>> -> memref<1x!tpu.dma_semaphore, #tpu.memory_space<semaphore_mem>>
        %dma_wait3A_245 = tpu.memref_squeeze %dma_wait3A_244 : memref<1x!tpu.dma_semaphore, #tpu.memory_space<semaphore_mem>> -> memref<!tpu.dma_semaphore, #tpu.memory_space<semaphore_mem>>
        %dma_wait3A_246 = arith.constant 0 : i32
        %dma_wait3A_247 = arith.constant 0 : i32
        %dma_wait3A_248 = tpu.memref_slice %arg6[%dma_wait3A, %dma_wait3A_246, %dma_wait3A_247] : memref<3x80x128xf32, #tpu.memory_space<vmem>> -> memref<1x80x128xf32, #tpu.memory_space<vmem>>
        %dma_wait3A_249 = tpu.memref_squeeze %dma_wait3A_248 : memref<1x80x128xf32, #tpu.memory_space<vmem>> -> memref<80x128xf32, #tpu.memory_space<vmem>>
        %dma_wait3A_250 = arith.constant 0 : i32
        %dma_wait3A_251 = tpu.memref_slice %arg2[%arg0, %multiple_of3A_235, %dma_wait3A_250] : memref<2x160000x128xf32, #tpu.memory_space<hbm>> -> memref<1x80x128xf32, #tpu.memory_space<hbm>>
        %dma_wait3A_252 = tpu.memref_squeeze %dma_wait3A_251 : memref<1x80x128xf32, #tpu.memory_space<hbm>> -> memref<80x128xf32, #tpu.memory_space<hbm>>
        tpu.wait_dma2 semaphore(%dma_wait3A_245 : memref<!tpu.dma_semaphore, #tpu.memory_space<semaphore_mem>>) src(%dma_wait3A_252 : memref<80x128xf32, #tpu.memory_space<hbm>>) dst(%dma_wait3A_249 : memref<80x128xf32, #tpu.memory_space<vmem>>)
        %run_scoped3A = arith.constant 1 : i32
        "tpu.region"() ({
          %run_scoped3A_260 = tpu.sem_alloc : memref<!tpu.dma_semaphore, #tpu.memory_space<semaphore_mem>>
          %dma_start3A_261 = arith.constant 0 : i32
          %dma_start3A_262 = arith.constant 0 : i32
          %dma_start3A_263 = tpu.memref_slice %arg6[%run_scoped3A, %dma_start3A_261, %dma_start3A_262] : memref<3x80x128xf32, #tpu.memory_space<vmem>> -> memref<1x80x128xf32, #tpu.memory_space<vmem>>
          %dma_start3A_264 = tpu.memref_squeeze %dma_start3A_263 : memref<1x80x128xf32, #tpu.memory_space<vmem>> -> memref<80x128xf32, #tpu.memory_space<vmem>>
          %dma_start3A_265 = arith.constant 0 : i32
          %dma_start3A_266 = tpu.memref_slice %arg5[%add3A_215, %dma_start3A_265] : memref<125x80xi32, #tpu.memory_space<vmem>> -> memref<1x80xi32, #tpu.memory_space<vmem>>
          %dma_start3A_267 = tpu.memref_squeeze %dma_start3A_266 : memref<1x80xi32, #tpu.memory_space<vmem>> -> memref<80xi32, #tpu.memory_space<vmem>>
          %dma_start3A_268 = arith.constant 0 : i32
          %dma_start3A_269 = arith.constant 0 : i32
          %dma_start3A_270 = tpu.memref_slice %arg7[%dma_start3A_268, %dma_start3A_269] : memref<10000x128xf32, #tpu.memory_space<vmem_shared>> -> memref<10000x128xf32, #tpu.memory_space<vmem_shared>>
          tpu.enqueue_indirect_dma source(%dma_start3A_264 : memref<80x128xf32, #tpu.memory_space<vmem>>) target(%dma_start3A_270 : memref<10000x128xf32, #tpu.memory_space<vmem_shared>>) offsets(%dma_start3A_267 : memref<80xi32, #tpu.memory_space<vmem>>) semaphore(%run_scoped3A_260 : memref<!tpu.dma_semaphore, #tpu.memory_space<semaphore_mem>>) {add = true}
          %dma_wait3A_271 = arith.constant 0 : i32
          %dma_wait3A_272 = arith.constant 0 : i32
          %dma_wait3A_273 = tpu.memref_slice %arg6[%run_scoped3A, %dma_wait3A_271, %dma_wait3A_272] : memref<3x80x128xf32, #tpu.memory_space<vmem>> -> memref<1x80x128xf32, #tpu.memory_space<vmem>>
          %dma_wait3A_274 = tpu.memref_squeeze %dma_wait3A_273 : memref<1x80x128xf32, #tpu.memory_space<vmem>> -> memref<80x128xf32, #tpu.memory_space<vmem>>
          %dma_wait3A_275 = arith.constant 0 : i32
          %dma_wait3A_276 = tpu.memref_slice %arg5[%add3A_215, %dma_wait3A_275] : memref<125x80xi32, #tpu.memory_space<vmem>> -> memref<1x80xi32, #tpu.memory_space<vmem>>
          %dma_wait3A_277 = tpu.memref_squeeze %dma_wait3A_276 : memref<1x80xi32, #tpu.memory_space<vmem>> -> memref<80xi32, #tpu.memory_space<vmem>>
          %dma_wait3A_278 = arith.constant 0 : i32
          %dma_wait3A_279 = arith.constant 0 : i32
          %dma_wait3A_280 = tpu.memref_slice %arg7[%dma_wait3A_278, %dma_wait3A_279] : memref<10000x128xf32, #tpu.memory_space<vmem_shared>> -> memref<10000x128xf32, #tpu.memory_space<vmem_shared>>
          tpu.wait_indirect_dma semaphore(%run_scoped3A_260 : memref<!tpu.dma_semaphore, #tpu.memory_space<semaphore_mem>>) src(%dma_wait3A_274 : memref<80x128xf32, #tpu.memory_space<vmem>>) dst(%dma_wait3A_280 : memref<10000x128xf32, #tpu.memory_space<vmem_shared>>)
          tpu.yield
        }) : () -> ()
        %add3A_253 = arith.constant 3 : i32
        %add3A_254 = arith.addi %add3A_215, %add3A_253 : i32
        %lt3A_255 = arith.constant 125 : i32
        %lt3A_256 = arith.cmpi slt, %add3A_254, %lt3A_255 : i32
        %convert_element_type3A_257 = arith.extui %lt3A_256 : i1 to i32
        %cond3A_258 = arith.constant 0 : i32
        %cond3A_259 = arith.cmpi ne, %convert_element_type3A_257, %cond3A_258 : i32
        scf.if %cond3A_259 {
          %add3A_260 = arith.constant 3 : i32
          %add3A_261 = arith.addi %add3A_215, %add3A_260 : i32
          %mul3A_262 = arith.constant 125 : i32
          %mul3A_263 = arith.muli %arg1, %mul3A_262 : i32
          %add3A_264 = arith.addi %mul3A_263, %add3A_261 : i32
          %mul3A_265 = arith.constant 80 : i32
          %mul3A_266 = arith.muli %add3A_264, %mul3A_265 : i32
          %multiple_of3A_267 = tpu.assume_multiple %mul3A_266, 80 : i32
          %dma_start3A_268 = arith.constant 1 : i32
          %dma_start3A_269 = arith.constant 1 : i32
          %dma_start3A_270 = arith.constant 0 : i32
          %dma_start3A_271 = arith.constant 0 : i32
          %dma_start3A_272 = tpu.memref_slice %arg6[%dma_start3A_268, %dma_start3A_270, %dma_start3A_271] : memref<3x80x128xf32, #tpu.memory_space<vmem>> -> memref<1x80x128xf32, #tpu.memory_space<vmem>>
          %dma_start3A_273 = tpu.memref_squeeze %dma_start3A_272 : memref<1x80x128xf32, #tpu.memory_space<vmem>> -> memref<80x128xf32, #tpu.memory_space<vmem>>
          %dma_start3A_274 = arith.constant 0 : i32
          %dma_start3A_275 = tpu.memref_slice %arg2[%arg0, %multiple_of3A_267, %dma_start3A_274] : memref<2x160000x128xf32, #tpu.memory_space<hbm>> -> memref<1x80x128xf32, #tpu.memory_space<hbm>>
          %dma_start3A_276 = tpu.memref_squeeze %dma_start3A_275 : memref<1x80x128xf32, #tpu.memory_space<hbm>> -> memref<80x128xf32, #tpu.memory_space<hbm>>
          %dma_start3A_277 = tpu.memref_slice %arg8[%dma_start3A_269] : memref<3x!tpu.dma_semaphore, #tpu.memory_space<semaphore_mem>> -> memref<1x!tpu.dma_semaphore, #tpu.memory_space<semaphore_mem>>
          %dma_start3A_278 = tpu.memref_squeeze %dma_start3A_277 : memref<1x!tpu.dma_semaphore, #tpu.memory_space<semaphore_mem>> -> memref<!tpu.dma_semaphore, #tpu.memory_space<semaphore_mem>>
          %dma_start3A_279 = arith.constant 0 : i32
          %dma_start3A_280 = arith.constant 0 : i32
          %dma_start3A_281 = tpu.memref_slice %arg6[%dma_start3A_268, %dma_start3A_279, %dma_start3A_280] : memref<3x80x128xf32, #tpu.memory_space<vmem>> -> memref<1x80x128xf32, #tpu.memory_space<vmem>>
          %dma_start3A_282 = tpu.memref_squeeze %dma_start3A_281 : memref<1x80x128xf32, #tpu.memory_space<vmem>> -> memref<80x128xf32, #tpu.memory_space<vmem>>
          %dma_start3A_283 = arith.constant 0 : i32
          %dma_start3A_284 = tpu.memref_slice %arg2[%arg0, %multiple_of3A_267, %dma_start3A_283] : memref<2x160000x128xf32, #tpu.memory_space<hbm>> -> memref<1x80x128xf32, #tpu.memory_space<hbm>>
          %dma_start3A_285 = tpu.memref_squeeze %dma_start3A_284 : memref<1x80x128xf32, #tpu.memory_space<hbm>> -> memref<80x128xf32, #tpu.memory_space<hbm>>
          tpu.enqueue_dma source(%dma_start3A_285 : memref<80x128xf32, #tpu.memory_space<hbm>>) target(%dma_start3A_282 : memref<80x128xf32, #tpu.memory_space<vmem>>) target_semaphore(%dma_start3A_278 : memref<!tpu.dma_semaphore, #tpu.memory_space<semaphore_mem>>)
        } else {
        }
      } else {
      }
      %mul3A_221 = arith.constant 3 : i32
      %mul3A_222 = arith.muli %scan3A_202, %mul3A_221 : i32
      %add3A_223 = arith.constant 2 : i32
      %add3A_224 = arith.addi %mul3A_222, %add3A_223 : i32
      %lt3A_225 = arith.constant 125 : i32
      %lt3A_226 = arith.cmpi slt, %add3A_224, %lt3A_225 : i32
      %convert_element_type3A_227 = arith.extui %lt3A_226 : i1 to i32
      %cond3A_228 = arith.constant 0 : i32
      %cond3A_229 = arith.cmpi ne, %convert_element_type3A_227, %cond3A_228 : i32
      scf.if %cond3A_229 {
        %mul3A_230 = arith.constant 125 : i32
        %mul3A_231 = arith.muli %arg1, %mul3A_230 : i32
        %add3A_232 = arith.addi %mul3A_231, %add3A_224 : i32
        %mul3A_233 = arith.constant 80 : i32
        %mul3A_234 = arith.muli %add3A_232, %mul3A_233 : i32
        %multiple_of3A_235 = tpu.assume_multiple %mul3A_234, 80 : i32
        %dma_wait3A = arith.constant 2 : i32
        %dma_wait3A_236 = arith.constant 2 : i32
        %dma_wait3A_237 = arith.constant 0 : i32
        %dma_wait3A_238 = arith.constant 0 : i32
        %dma_wait3A_239 = tpu.memref_slice %arg6[%dma_wait3A, %dma_wait3A_237, %dma_wait3A_238] : memref<3x80x128xf32, #tpu.memory_space<vmem>> -> memref<1x80x128xf32, #tpu.memory_space<vmem>>
        %dma_wait3A_240 = tpu.memref_squeeze %dma_wait3A_239 : memref<1x80x128xf32, #tpu.memory_space<vmem>> -> memref<80x128xf32, #tpu.memory_space<vmem>>
        %dma_wait3A_241 = arith.constant 0 : i32
        %dma_wait3A_242 = tpu.memref_slice %arg2[%arg0, %multiple_of3A_235, %dma_wait3A_241] : memref<2x160000x128xf32, #tpu.memory_space<hbm>> -> memref<1x80x128xf32, #tpu.memory_space<hbm>>
        %dma_wait3A_243 = tpu.memref_squeeze %dma_wait3A_242 : memref<1x80x128xf32, #tpu.memory_space<hbm>> -> memref<80x128xf32, #tpu.memory_space<hbm>>
        %dma_wait3A_244 = tpu.memref_slice %arg8[%dma_wait3A_236] : memref<3x!tpu.dma_semaphore, #tpu.memory_space<semaphore_mem>> -> memref<1x!tpu.dma_semaphore, #tpu.memory_space<semaphore_mem>>
        %dma_wait3A_245 = tpu.memref_squeeze %dma_wait3A_244 : memref<1x!tpu.dma_semaphore, #tpu.memory_space<semaphore_mem>> -> memref<!tpu.dma_semaphore, #tpu.memory_space<semaphore_mem>>
        %dma_wait3A_246 = arith.constant 0 : i32
        %dma_wait3A_247 = arith.constant 0 : i32
        %dma_wait3A_248 = tpu.memref_slice %arg6[%dma_wait3A, %dma_wait3A_246, %dma_wait3A_247] : memref<3x80x128xf32, #tpu.memory_space<vmem>> -> memref<1x80x128xf32, #tpu.memory_space<vmem>>
        %dma_wait3A_249 = tpu.memref_squeeze %dma_wait3A_248 : memref<1x80x128xf32, #tpu.memory_space<vmem>> -> memref<80x128xf32, #tpu.memory_space<vmem>>
        %dma_wait3A_250 = arith.constant 0 : i32
        %dma_wait3A_251 = tpu.memref_slice %arg2[%arg0, %multiple_of3A_235, %dma_wait3A_250] : memref<2x160000x128xf32, #tpu.memory_space<hbm>> -> memref<1x80x128xf32, #tpu.memory_space<hbm>>
        %dma_wait3A_252 = tpu.memref_squeeze %dma_wait3A_251 : memref<1x80x128xf32, #tpu.memory_space<hbm>> -> memref<80x128xf32, #tpu.memory_space<hbm>>
        tpu.wait_dma2 semaphore(%dma_wait3A_245 : memref<!tpu.dma_semaphore, #tpu.memory_space<semaphore_mem>>) src(%dma_wait3A_252 : memref<80x128xf32, #tpu.memory_space<hbm>>) dst(%dma_wait3A_249 : memref<80x128xf32, #tpu.memory_space<vmem>>)
        %run_scoped3A = arith.constant 2 : i32
        "tpu.region"() ({
          %run_scoped3A_260 = tpu.sem_alloc : memref<!tpu.dma_semaphore, #tpu.memory_space<semaphore_mem>>
          %dma_start3A_261 = arith.constant 0 : i32
          %dma_start3A_262 = arith.constant 0 : i32
          %dma_start3A_263 = tpu.memref_slice %arg6[%run_scoped3A, %dma_start3A_261, %dma_start3A_262] : memref<3x80x128xf32, #tpu.memory_space<vmem>> -> memref<1x80x128xf32, #tpu.memory_space<vmem>>
          %dma_start3A_264 = tpu.memref_squeeze %dma_start3A_263 : memref<1x80x128xf32, #tpu.memory_space<vmem>> -> memref<80x128xf32, #tpu.memory_space<vmem>>
          %dma_start3A_265 = arith.constant 0 : i32
          %dma_start3A_266 = tpu.memref_slice %arg5[%add3A_224, %dma_start3A_265] : memref<125x80xi32, #tpu.memory_space<vmem>> -> memref<1x80xi32, #tpu.memory_space<vmem>>
          %dma_start3A_267 = tpu.memref_squeeze %dma_start3A_266 : memref<1x80xi32, #tpu.memory_space<vmem>> -> memref<80xi32, #tpu.memory_space<vmem>>
          %dma_start3A_268 = arith.constant 0 : i32
          %dma_start3A_269 = arith.constant 0 : i32
          %dma_start3A_270 = tpu.memref_slice %arg7[%dma_start3A_268, %dma_start3A_269] : memref<10000x128xf32, #tpu.memory_space<vmem_shared>> -> memref<10000x128xf32, #tpu.memory_space<vmem_shared>>
          tpu.enqueue_indirect_dma source(%dma_start3A_264 : memref<80x128xf32, #tpu.memory_space<vmem>>) target(%dma_start3A_270 : memref<10000x128xf32, #tpu.memory_space<vmem_shared>>) offsets(%dma_start3A_267 : memref<80xi32, #tpu.memory_space<vmem>>) semaphore(%run_scoped3A_260 : memref<!tpu.dma_semaphore, #tpu.memory_space<semaphore_mem>>) {add = true}
          %dma_wait3A_271 = arith.constant 0 : i32
          %dma_wait3A_272 = arith.constant 0 : i32
          %dma_wait3A_273 = tpu.memref_slice %arg6[%run_scoped3A, %dma_wait3A_271, %dma_wait3A_272] : memref<3x80x128xf32, #tpu.memory_space<vmem>> -> memref<1x80x128xf32, #tpu.memory_space<vmem>>
          %dma_wait3A_274 = tpu.memref_squeeze %dma_wait3A_273 : memref<1x80x128xf32, #tpu.memory_space<vmem>> -> memref<80x128xf32, #tpu.memory_space<vmem>>
          %dma_wait3A_275 = arith.constant 0 : i32
          %dma_wait3A_276 = tpu.memref_slice %arg5[%add3A_224, %dma_wait3A_275] : memref<125x80xi32, #tpu.memory_space<vmem>> -> memref<1x80xi32, #tpu.memory_space<vmem>>
          %dma_wait3A_277 = tpu.memref_squeeze %dma_wait3A_276 : memref<1x80xi32, #tpu.memory_space<vmem>> -> memref<80xi32, #tpu.memory_space<vmem>>
          %dma_wait3A_278 = arith.constant 0 : i32
          %dma_wait3A_279 = arith.constant 0 : i32
          %dma_wait3A_280 = tpu.memref_slice %arg7[%dma_wait3A_278, %dma_wait3A_279] : memref<10000x128xf32, #tpu.memory_space<vmem_shared>> -> memref<10000x128xf32, #tpu.memory_space<vmem_shared>>
          tpu.wait_indirect_dma semaphore(%run_scoped3A_260 : memref<!tpu.dma_semaphore, #tpu.memory_space<semaphore_mem>>) src(%dma_wait3A_274 : memref<80x128xf32, #tpu.memory_space<vmem>>) dst(%dma_wait3A_280 : memref<10000x128xf32, #tpu.memory_space<vmem_shared>>)
          tpu.yield
        }) : () -> ()
        %add3A_253 = arith.constant 3 : i32
        %add3A_254 = arith.addi %add3A_224, %add3A_253 : i32
        %lt3A_255 = arith.constant 125 : i32
        %lt3A_256 = arith.cmpi slt, %add3A_254, %lt3A_255 : i32
        %convert_element_type3A_257 = arith.extui %lt3A_256 : i1 to i32
        %cond3A_258 = arith.constant 0 : i32
        %cond3A_259 = arith.cmpi ne, %convert_element_type3A_257, %cond3A_258 : i32
        scf.if %cond3A_259 {
          %add3A_260 = arith.constant 3 : i32
          %add3A_261 = arith.addi %add3A_224, %add3A_260 : i32
          %mul3A_262 = arith.constant 125 : i32
          %mul3A_263 = arith.muli %arg1, %mul3A_262 : i32
          %add3A_264 = arith.addi %mul3A_263, %add3A_261 : i32
          %mul3A_265 = arith.constant 80 : i32
          %mul3A_266 = arith.muli %add3A_264, %mul3A_265 : i32
          %multiple_of3A_267 = tpu.assume_multiple %mul3A_266, 80 : i32
          %dma_start3A_268 = arith.constant 2 : i32
          %dma_start3A_269 = arith.constant 2 : i32
          %dma_start3A_270 = arith.constant 0 : i32
          %dma_start3A_271 = arith.constant 0 : i32
          %dma_start3A_272 = tpu.memref_slice %arg6[%dma_start3A_268, %dma_start3A_270, %dma_start3A_271] : memref<3x80x128xf32, #tpu.memory_space<vmem>> -> memref<1x80x128xf32, #tpu.memory_space<vmem>>
          %dma_start3A_273 = tpu.memref_squeeze %dma_start3A_272 : memref<1x80x128xf32, #tpu.memory_space<vmem>> -> memref<80x128xf32, #tpu.memory_space<vmem>>
          %dma_start3A_274 = arith.constant 0 : i32
          %dma_start3A_275 = tpu.memref_slice %arg2[%arg0, %multiple_of3A_267, %dma_start3A_274] : memref<2x160000x128xf32, #tpu.memory_space<hbm>> -> memref<1x80x128xf32, #tpu.memory_space<hbm>>
          %dma_start3A_276 = tpu.memref_squeeze %dma_start3A_275 : memref<1x80x128xf32, #tpu.memory_space<hbm>> -> memref<80x128xf32, #tpu.memory_space<hbm>>
          %dma_start3A_277 = tpu.memref_slice %arg8[%dma_start3A_269] : memref<3x!tpu.dma_semaphore, #tpu.memory_space<semaphore_mem>> -> memref<1x!tpu.dma_semaphore, #tpu.memory_space<semaphore_mem>>
          %dma_start3A_278 = tpu.memref_squeeze %dma_start3A_277 : memref<1x!tpu.dma_semaphore, #tpu.memory_space<semaphore_mem>> -> memref<!tpu.dma_semaphore, #tpu.memory_space<semaphore_mem>>
          %dma_start3A_279 = arith.constant 0 : i32
          %dma_start3A_280 = arith.constant 0 : i32
          %dma_start3A_281 = tpu.memref_slice %arg6[%dma_start3A_268, %dma_start3A_279, %dma_start3A_280] : memref<3x80x128xf32, #tpu.memory_space<vmem>> -> memref<1x80x128xf32, #tpu.memory_space<vmem>>
          %dma_start3A_282 = tpu.memref_squeeze %dma_start3A_281 : memref<1x80x128xf32, #tpu.memory_space<vmem>> -> memref<80x128xf32, #tpu.memory_space<vmem>>
          %dma_start3A_283 = arith.constant 0 : i32
          %dma_start3A_284 = tpu.memref_slice %arg2[%arg0, %multiple_of3A_267, %dma_start3A_283] : memref<2x160000x128xf32, #tpu.memory_space<hbm>> -> memref<1x80x128xf32, #tpu.memory_space<hbm>>
          %dma_start3A_285 = tpu.memref_squeeze %dma_start3A_284 : memref<1x80x128xf32, #tpu.memory_space<hbm>> -> memref<80x128xf32, #tpu.memory_space<hbm>>
          tpu.enqueue_dma source(%dma_start3A_285 : memref<80x128xf32, #tpu.memory_space<hbm>>) target(%dma_start3A_282 : memref<80x128xf32, #tpu.memory_space<vmem>>) target_semaphore(%dma_start3A_278 : memref<!tpu.dma_semaphore, #tpu.memory_space<semaphore_mem>>)
        } else {
        }
      } else {
      }
    }
    %scan3A_144 = arith.constant 42 : i32
    %barrier3A_145 = arith.constant 0 : index
    tpu.barrier barrier_id(%barrier3A_145)
    %add3A_146 = arith.constant 0 : i32
    %add3A_147 = arith.addi %arg1, %add3A_146 : i32
    %lt3A_148 = arith.constant 125 : i32
    %lt3A_149 = arith.cmpi slt, %add3A_147, %lt3A_148 : i32
    %convert_element_type3A_150 = arith.extui %lt3A_149 : i1 to i32
    %cond3A_151 = arith.constant 0 : i32
    %cond3A_152 = arith.cmpi ne, %convert_element_type3A_150, %cond3A_151 : i32
    scf.if %cond3A_152 {
      %mul3A_202 = arith.constant 80 : i32
      %mul3A_203 = arith.muli %add3A_147, %mul3A_202 : i32
      %multiple_of3A_204 = tpu.assume_multiple %mul3A_203, 80 : i32
      "tpu.region"() ({
        %run_scoped3A = tpu.sem_alloc : memref<!tpu.dma_semaphore, #tpu.memory_space<semaphore_mem>>
        %dma_start3A_205 = arith.constant 0 : i32
        %dma_start3A_206 = tpu.memref_slice %arg4[%arg0, %multiple_of3A_204, %dma_start3A_205] : memref<2x10000x128xf32, #tpu.memory_space<hbm>> -> memref<1x80x128xf32, #tpu.memory_space<hbm>>
        %dma_start3A_207 = tpu.memref_squeeze %dma_start3A_206 : memref<1x80x128xf32, #tpu.memory_space<hbm>> -> memref<80x128xf32, #tpu.memory_space<hbm>>
        %dma_start3A_208 = arith.constant 0 : i32
        %dma_start3A_209 = tpu.memref_slice %arg7[%multiple_of3A_204, %dma_start3A_208] : memref<10000x128xf32, #tpu.memory_space<vmem_shared>> -> memref<80x128xf32, #tpu.memory_space<vmem_shared>>
        tpu.enqueue_dma source(%dma_start3A_209 : memref<80x128xf32, #tpu.memory_space<vmem_shared>>) target(%dma_start3A_207 : memref<80x128xf32, #tpu.memory_space<hbm>>) target_semaphore(%run_scoped3A : memref<!tpu.dma_semaphore, #tpu.memory_space<semaphore_mem>>)
        %dma_wait3A = arith.constant 0 : i32
        %dma_wait3A_210 = tpu.memref_slice %arg4[%arg0, %multiple_of3A_204, %dma_wait3A] : memref<2x10000x128xf32, #tpu.memory_space<hbm>> -> memref<1x80x128xf32, #tpu.memory_space<hbm>>
        %dma_wait3A_211 = tpu.memref_squeeze %dma_wait3A_210 : memref<1x80x128xf32, #tpu.memory_space<hbm>> -> memref<80x128xf32, #tpu.memory_space<hbm>>
        %dma_wait3A_212 = arith.constant 0 : i32
        %dma_wait3A_213 = tpu.memref_slice %arg7[%multiple_of3A_204, %dma_wait3A_212] : memref<10000x128xf32, #tpu.memory_space<vmem_shared>> -> memref<80x128xf32, #tpu.memory_space<vmem_shared>>
        tpu.wait_dma2 semaphore(%run_scoped3A : memref<!tpu.dma_semaphore, #tpu.memory_space<semaphore_mem>>) src(%dma_wait3A_213 : memref<80x128xf32, #tpu.memory_space<vmem_shared>>) dst(%dma_wait3A_211 : memref<80x128xf32, #tpu.memory_space<hbm>>)
        tpu.yield
      }) : () -> ()
    } else {
    }
    %add3A_153 = arith.constant 16 : i32
    %add3A_154 = arith.addi %arg1, %add3A_153 : i32
    %lt3A_155 = arith.constant 125 : i32
    %lt3A_156 = arith.cmpi slt, %add3A_154, %lt3A_155 : i32
    %convert_element_type3A_157 = arith.extui %lt3A_156 : i1 to i32
    %cond3A_158 = arith.constant 0 : i32
    %cond3A_159 = arith.cmpi ne, %convert_element_type3A_157, %cond3A_158 : i32
    scf.if %cond3A_159 {
      %mul3A_202 = arith.constant 80 : i32
      %mul3A_203 = arith.muli %add3A_154, %mul3A_202 : i32
      %multiple_of3A_204 = tpu.assume_multiple %mul3A_203, 80 : i32
      "tpu.region"() ({
        %run_scoped3A = tpu.sem_alloc : memref<!tpu.dma_semaphore, #tpu.memory_space<semaphore_mem>>
        %dma_start3A_205 = arith.constant 0 : i32
        %dma_start3A_206 = tpu.memref_slice %arg4[%arg0, %multiple_of3A_204, %dma_start3A_205] : memref<2x10000x128xf32, #tpu.memory_space<hbm>> -> memref<1x80x128xf32, #tpu.memory_space<hbm>>
        %dma_start3A_207 = tpu.memref_squeeze %dma_start3A_206 : memref<1x80x128xf32, #tpu.memory_space<hbm>> -> memref<80x128xf32, #tpu.memory_space<hbm>>
        %dma_start3A_208 = arith.constant 0 : i32
        %dma_start3A_209 = tpu.memref_slice %arg7[%multiple_of3A_204, %dma_start3A_208] : memref<10000x128xf32, #tpu.memory_space<vmem_shared>> -> memref<80x128xf32, #tpu.memory_space<vmem_shared>>
        tpu.enqueue_dma source(%dma_start3A_209 : memref<80x128xf32, #tpu.memory_space<vmem_shared>>) target(%dma_start3A_207 : memref<80x128xf32, #tpu.memory_space<hbm>>) target_semaphore(%run_scoped3A : memref<!tpu.dma_semaphore, #tpu.memory_space<semaphore_mem>>)
        %dma_wait3A = arith.constant 0 : i32
        %dma_wait3A_210 = tpu.memref_slice %arg4[%arg0, %multiple_of3A_204, %dma_wait3A] : memref<2x10000x128xf32, #tpu.memory_space<hbm>> -> memref<1x80x128xf32, #tpu.memory_space<hbm>>
        %dma_wait3A_211 = tpu.memref_squeeze %dma_wait3A_210 : memref<1x80x128xf32, #tpu.memory_space<hbm>> -> memref<80x128xf32, #tpu.memory_space<hbm>>
        %dma_wait3A_212 = arith.constant 0 : i32
        %dma_wait3A_213 = tpu.memref_slice %arg7[%multiple_of3A_204, %dma_wait3A_212] : memref<10000x128xf32, #tpu.memory_space<vmem_shared>> -> memref<80x128xf32, #tpu.memory_space<vmem_shared>>
        tpu.wait_dma2 semaphore(%run_scoped3A : memref<!tpu.dma_semaphore, #tpu.memory_space<semaphore_mem>>) src(%dma_wait3A_213 : memref<80x128xf32, #tpu.memory_space<vmem_shared>>) dst(%dma_wait3A_211 : memref<80x128xf32, #tpu.memory_space<hbm>>)
        tpu.yield
      }) : () -> ()
    } else {
    }
    %add3A_160 = arith.constant 32 : i32
    %add3A_161 = arith.addi %arg1, %add3A_160 : i32
    %lt3A_162 = arith.constant 125 : i32
    %lt3A_163 = arith.cmpi slt, %add3A_161, %lt3A_162 : i32
    %convert_element_type3A_164 = arith.extui %lt3A_163 : i1 to i32
    %cond3A_165 = arith.constant 0 : i32
    %cond3A_166 = arith.cmpi ne, %convert_element_type3A_164, %cond3A_165 : i32
    scf.if %cond3A_166 {
      %mul3A_202 = arith.constant 80 : i32
      %mul3A_203 = arith.muli %add3A_161, %mul3A_202 : i32
      %multiple_of3A_204 = tpu.assume_multiple %mul3A_203, 80 : i32
      "tpu.region"() ({
        %run_scoped3A = tpu.sem_alloc : memref<!tpu.dma_semaphore, #tpu.memory_space<semaphore_mem>>
        %dma_start3A_205 = arith.constant 0 : i32
        %dma_start3A_206 = tpu.memref_slice %arg4[%arg0, %multiple_of3A_204, %dma_start3A_205] : memref<2x10000x128xf32, #tpu.memory_space<hbm>> -> memref<1x80x128xf32, #tpu.memory_space<hbm>>
        %dma_start3A_207 = tpu.memref_squeeze %dma_start3A_206 : memref<1x80x128xf32, #tpu.memory_space<hbm>> -> memref<80x128xf32, #tpu.memory_space<hbm>>
        %dma_start3A_208 = arith.constant 0 : i32
        %dma_start3A_209 = tpu.memref_slice %arg7[%multiple_of3A_204, %dma_start3A_208] : memref<10000x128xf32, #tpu.memory_space<vmem_shared>> -> memref<80x128xf32, #tpu.memory_space<vmem_shared>>
        tpu.enqueue_dma source(%dma_start3A_209 : memref<80x128xf32, #tpu.memory_space<vmem_shared>>) target(%dma_start3A_207 : memref<80x128xf32, #tpu.memory_space<hbm>>) target_semaphore(%run_scoped3A : memref<!tpu.dma_semaphore, #tpu.memory_space<semaphore_mem>>)
        %dma_wait3A = arith.constant 0 : i32
        %dma_wait3A_210 = tpu.memref_slice %arg4[%arg0, %multiple_of3A_204, %dma_wait3A] : memref<2x10000x128xf32, #tpu.memory_space<hbm>> -> memref<1x80x128xf32, #tpu.memory_space<hbm>>
        %dma_wait3A_211 = tpu.memref_squeeze %dma_wait3A_210 : memref<1x80x128xf32, #tpu.memory_space<hbm>> -> memref<80x128xf32, #tpu.memory_space<hbm>>
        %dma_wait3A_212 = arith.constant 0 : i32
        %dma_wait3A_213 = tpu.memref_slice %arg7[%multiple_of3A_204, %dma_wait3A_212] : memref<10000x128xf32, #tpu.memory_space<vmem_shared>> -> memref<80x128xf32, #tpu.memory_space<vmem_shared>>
        tpu.wait_dma2 semaphore(%run_scoped3A : memref<!tpu.dma_semaphore, #tpu.memory_space<semaphore_mem>>) src(%dma_wait3A_213 : memref<80x128xf32, #tpu.memory_space<vmem_shared>>) dst(%dma_wait3A_211 : memref<80x128xf32, #tpu.memory_space<hbm>>)
        tpu.yield
      }) : () -> ()
    } else {
    }
    %add3A_167 = arith.constant 48 : i32
    %add3A_168 = arith.addi %arg1, %add3A_167 : i32
    %lt3A_169 = arith.constant 125 : i32
    %lt3A_170 = arith.cmpi slt, %add3A_168, %lt3A_169 : i32
    %convert_element_type3A_171 = arith.extui %lt3A_170 : i1 to i32
    %cond3A_172 = arith.constant 0 : i32
    %cond3A_173 = arith.cmpi ne, %convert_element_type3A_171, %cond3A_172 : i32
    scf.if %cond3A_173 {
      %mul3A_202 = arith.constant 80 : i32
      %mul3A_203 = arith.muli %add3A_168, %mul3A_202 : i32
      %multiple_of3A_204 = tpu.assume_multiple %mul3A_203, 80 : i32
      "tpu.region"() ({
        %run_scoped3A = tpu.sem_alloc : memref<!tpu.dma_semaphore, #tpu.memory_space<semaphore_mem>>
        %dma_start3A_205 = arith.constant 0 : i32
        %dma_start3A_206 = tpu.memref_slice %arg4[%arg0, %multiple_of3A_204, %dma_start3A_205] : memref<2x10000x128xf32, #tpu.memory_space<hbm>> -> memref<1x80x128xf32, #tpu.memory_space<hbm>>
        %dma_start3A_207 = tpu.memref_squeeze %dma_start3A_206 : memref<1x80x128xf32, #tpu.memory_space<hbm>> -> memref<80x128xf32, #tpu.memory_space<hbm>>
        %dma_start3A_208 = arith.constant 0 : i32
        %dma_start3A_209 = tpu.memref_slice %arg7[%multiple_of3A_204, %dma_start3A_208] : memref<10000x128xf32, #tpu.memory_space<vmem_shared>> -> memref<80x128xf32, #tpu.memory_space<vmem_shared>>
        tpu.enqueue_dma source(%dma_start3A_209 : memref<80x128xf32, #tpu.memory_space<vmem_shared>>) target(%dma_start3A_207 : memref<80x128xf32, #tpu.memory_space<hbm>>) target_semaphore(%run_scoped3A : memref<!tpu.dma_semaphore, #tpu.memory_space<semaphore_mem>>)
        %dma_wait3A = arith.constant 0 : i32
        %dma_wait3A_210 = tpu.memref_slice %arg4[%arg0, %multiple_of3A_204, %dma_wait3A] : memref<2x10000x128xf32, #tpu.memory_space<hbm>> -> memref<1x80x128xf32, #tpu.memory_space<hbm>>
        %dma_wait3A_211 = tpu.memref_squeeze %dma_wait3A_210 : memref<1x80x128xf32, #tpu.memory_space<hbm>> -> memref<80x128xf32, #tpu.memory_space<hbm>>
        %dma_wait3A_212 = arith.constant 0 : i32
        %dma_wait3A_213 = tpu.memref_slice %arg7[%multiple_of3A_204, %dma_wait3A_212] : memref<10000x128xf32, #tpu.memory_space<vmem_shared>> -> memref<80x128xf32, #tpu.memory_space<vmem_shared>>
        tpu.wait_dma2 semaphore(%run_scoped3A : memref<!tpu.dma_semaphore, #tpu.memory_space<semaphore_mem>>) src(%dma_wait3A_213 : memref<80x128xf32, #tpu.memory_space<vmem_shared>>) dst(%dma_wait3A_211 : memref<80x128xf32, #tpu.memory_space<hbm>>)
        tpu.yield
      }) : () -> ()
    } else {
    }
    %add3A_174 = arith.constant 64 : i32
    %add3A_175 = arith.addi %arg1, %add3A_174 : i32
    %lt3A_176 = arith.constant 125 : i32
    %lt3A_177 = arith.cmpi slt, %add3A_175, %lt3A_176 : i32
    %convert_element_type3A_178 = arith.extui %lt3A_177 : i1 to i32
    %cond3A_179 = arith.constant 0 : i32
    %cond3A_180 = arith.cmpi ne, %convert_element_type3A_178, %cond3A_179 : i32
    scf.if %cond3A_180 {
      %mul3A_202 = arith.constant 80 : i32
      %mul3A_203 = arith.muli %add3A_175, %mul3A_202 : i32
      %multiple_of3A_204 = tpu.assume_multiple %mul3A_203, 80 : i32
      "tpu.region"() ({
        %run_scoped3A = tpu.sem_alloc : memref<!tpu.dma_semaphore, #tpu.memory_space<semaphore_mem>>
        %dma_start3A_205 = arith.constant 0 : i32
        %dma_start3A_206 = tpu.memref_slice %arg4[%arg0, %multiple_of3A_204, %dma_start3A_205] : memref<2x10000x128xf32, #tpu.memory_space<hbm>> -> memref<1x80x128xf32, #tpu.memory_space<hbm>>
        %dma_start3A_207 = tpu.memref_squeeze %dma_start3A_206 : memref<1x80x128xf32, #tpu.memory_space<hbm>> -> memref<80x128xf32, #tpu.memory_space<hbm>>
        %dma_start3A_208 = arith.constant 0 : i32
        %dma_start3A_209 = tpu.memref_slice %arg7[%multiple_of3A_204, %dma_start3A_208] : memref<10000x128xf32, #tpu.memory_space<vmem_shared>> -> memref<80x128xf32, #tpu.memory_space<vmem_shared>>
        tpu.enqueue_dma source(%dma_start3A_209 : memref<80x128xf32, #tpu.memory_space<vmem_shared>>) target(%dma_start3A_207 : memref<80x128xf32, #tpu.memory_space<hbm>>) target_semaphore(%run_scoped3A : memref<!tpu.dma_semaphore, #tpu.memory_space<semaphore_mem>>)
        %dma_wait3A = arith.constant 0 : i32
        %dma_wait3A_210 = tpu.memref_slice %arg4[%arg0, %multiple_of3A_204, %dma_wait3A] : memref<2x10000x128xf32, #tpu.memory_space<hbm>> -> memref<1x80x128xf32, #tpu.memory_space<hbm>>
        %dma_wait3A_211 = tpu.memref_squeeze %dma_wait3A_210 : memref<1x80x128xf32, #tpu.memory_space<hbm>> -> memref<80x128xf32, #tpu.memory_space<hbm>>
        %dma_wait3A_212 = arith.constant 0 : i32
        %dma_wait3A_213 = tpu.memref_slice %arg7[%multiple_of3A_204, %dma_wait3A_212] : memref<10000x128xf32, #tpu.memory_space<vmem_shared>> -> memref<80x128xf32, #tpu.memory_space<vmem_shared>>
        tpu.wait_dma2 semaphore(%run_scoped3A : memref<!tpu.dma_semaphore, #tpu.memory_space<semaphore_mem>>) src(%dma_wait3A_213 : memref<80x128xf32, #tpu.memory_space<vmem_shared>>) dst(%dma_wait3A_211 : memref<80x128xf32, #tpu.memory_space<hbm>>)
        tpu.yield
      }) : () -> ()
    } else {
    }
    %add3A_181 = arith.constant 80 : i32
    %add3A_182 = arith.addi %arg1, %add3A_181 : i32
    %lt3A_183 = arith.constant 125 : i32
    %lt3A_184 = arith.cmpi slt, %add3A_182, %lt3A_183 : i32
    %convert_element_type3A_185 = arith.extui %lt3A_184 : i1 to i32
    %cond3A_186 = arith.constant 0 : i32
    %cond3A_187 = arith.cmpi ne, %convert_element_type3A_185, %cond3A_186 : i32
    scf.if %cond3A_187 {
      %mul3A_202 = arith.constant 80 : i32
      %mul3A_203 = arith.muli %add3A_182, %mul3A_202 : i32
      %multiple_of3A_204 = tpu.assume_multiple %mul3A_203, 80 : i32
      "tpu.region"() ({
        %run_scoped3A = tpu.sem_alloc : memref<!tpu.dma_semaphore, #tpu.memory_space<semaphore_mem>>
        %dma_start3A_205 = arith.constant 0 : i32
        %dma_start3A_206 = tpu.memref_slice %arg4[%arg0, %multiple_of3A_204, %dma_start3A_205] : memref<2x10000x128xf32, #tpu.memory_space<hbm>> -> memref<1x80x128xf32, #tpu.memory_space<hbm>>
        %dma_start3A_207 = tpu.memref_squeeze %dma_start3A_206 : memref<1x80x128xf32, #tpu.memory_space<hbm>> -> memref<80x128xf32, #tpu.memory_space<hbm>>
        %dma_start3A_208 = arith.constant 0 : i32
        %dma_start3A_209 = tpu.memref_slice %arg7[%multiple_of3A_204, %dma_start3A_208] : memref<10000x128xf32, #tpu.memory_space<vmem_shared>> -> memref<80x128xf32, #tpu.memory_space<vmem_shared>>
        tpu.enqueue_dma source(%dma_start3A_209 : memref<80x128xf32, #tpu.memory_space<vmem_shared>>) target(%dma_start3A_207 : memref<80x128xf32, #tpu.memory_space<hbm>>) target_semaphore(%run_scoped3A : memref<!tpu.dma_semaphore, #tpu.memory_space<semaphore_mem>>)
        %dma_wait3A = arith.constant 0 : i32
        %dma_wait3A_210 = tpu.memref_slice %arg4[%arg0, %multiple_of3A_204, %dma_wait3A] : memref<2x10000x128xf32, #tpu.memory_space<hbm>> -> memref<1x80x128xf32, #tpu.memory_space<hbm>>
        %dma_wait3A_211 = tpu.memref_squeeze %dma_wait3A_210 : memref<1x80x128xf32, #tpu.memory_space<hbm>> -> memref<80x128xf32, #tpu.memory_space<hbm>>
        %dma_wait3A_212 = arith.constant 0 : i32
        %dma_wait3A_213 = tpu.memref_slice %arg7[%multiple_of3A_204, %dma_wait3A_212] : memref<10000x128xf32, #tpu.memory_space<vmem_shared>> -> memref<80x128xf32, #tpu.memory_space<vmem_shared>>
        tpu.wait_dma2 semaphore(%run_scoped3A : memref<!tpu.dma_semaphore, #tpu.memory_space<semaphore_mem>>) src(%dma_wait3A_213 : memref<80x128xf32, #tpu.memory_space<vmem_shared>>) dst(%dma_wait3A_211 : memref<80x128xf32, #tpu.memory_space<hbm>>)
        tpu.yield
      }) : () -> ()
    } else {
    }
    %add3A_188 = arith.constant 96 : i32
    %add3A_189 = arith.addi %arg1, %add3A_188 : i32
    %lt3A_190 = arith.constant 125 : i32
    %lt3A_191 = arith.cmpi slt, %add3A_189, %lt3A_190 : i32
    %convert_element_type3A_192 = arith.extui %lt3A_191 : i1 to i32
    %cond3A_193 = arith.constant 0 : i32
    %cond3A_194 = arith.cmpi ne, %convert_element_type3A_192, %cond3A_193 : i32
    scf.if %cond3A_194 {
      %mul3A_202 = arith.constant 80 : i32
      %mul3A_203 = arith.muli %add3A_189, %mul3A_202 : i32
      %multiple_of3A_204 = tpu.assume_multiple %mul3A_203, 80 : i32
      "tpu.region"() ({
        %run_scoped3A = tpu.sem_alloc : memref<!tpu.dma_semaphore, #tpu.memory_space<semaphore_mem>>
        %dma_start3A_205 = arith.constant 0 : i32
        %dma_start3A_206 = tpu.memref_slice %arg4[%arg0, %multiple_of3A_204, %dma_start3A_205] : memref<2x10000x128xf32, #tpu.memory_space<hbm>> -> memref<1x80x128xf32, #tpu.memory_space<hbm>>
        %dma_start3A_207 = tpu.memref_squeeze %dma_start3A_206 : memref<1x80x128xf32, #tpu.memory_space<hbm>> -> memref<80x128xf32, #tpu.memory_space<hbm>>
        %dma_start3A_208 = arith.constant 0 : i32
        %dma_start3A_209 = tpu.memref_slice %arg7[%multiple_of3A_204, %dma_start3A_208] : memref<10000x128xf32, #tpu.memory_space<vmem_shared>> -> memref<80x128xf32, #tpu.memory_space<vmem_shared>>
        tpu.enqueue_dma source(%dma_start3A_209 : memref<80x128xf32, #tpu.memory_space<vmem_shared>>) target(%dma_start3A_207 : memref<80x128xf32, #tpu.memory_space<hbm>>) target_semaphore(%run_scoped3A : memref<!tpu.dma_semaphore, #tpu.memory_space<semaphore_mem>>)
        %dma_wait3A = arith.constant 0 : i32
        %dma_wait3A_210 = tpu.memref_slice %arg4[%arg0, %multiple_of3A_204, %dma_wait3A] : memref<2x10000x128xf32, #tpu.memory_space<hbm>> -> memref<1x80x128xf32, #tpu.memory_space<hbm>>
        %dma_wait3A_211 = tpu.memref_squeeze %dma_wait3A_210 : memref<1x80x128xf32, #tpu.memory_space<hbm>> -> memref<80x128xf32, #tpu.memory_space<hbm>>
        %dma_wait3A_212 = arith.constant 0 : i32
        %dma_wait3A_213 = tpu.memref_slice %arg7[%multiple_of3A_204, %dma_wait3A_212] : memref<10000x128xf32, #tpu.memory_space<vmem_shared>> -> memref<80x128xf32, #tpu.memory_space<vmem_shared>>
        tpu.wait_dma2 semaphore(%run_scoped3A : memref<!tpu.dma_semaphore, #tpu.memory_space<semaphore_mem>>) src(%dma_wait3A_213 : memref<80x128xf32, #tpu.memory_space<vmem_shared>>) dst(%dma_wait3A_211 : memref<80x128xf32, #tpu.memory_space<hbm>>)
        tpu.yield
      }) : () -> ()
    } else {
    }
    %add3A_195 = arith.constant 112 : i32
    %add3A_196 = arith.addi %arg1, %add3A_195 : i32
    %lt3A_197 = arith.constant 125 : i32
    %lt3A_198 = arith.cmpi slt, %add3A_196, %lt3A_197 : i32
    %convert_element_type3A_199 = arith.extui %lt3A_198 : i1 to i32
    %cond3A_200 = arith.constant 0 : i32
    %cond3A_201 = arith.cmpi ne, %convert_element_type3A_199, %cond3A_200 : i32
    scf.if %cond3A_201 {
      %mul3A_202 = arith.constant 80 : i32
      %mul3A_203 = arith.muli %add3A_196, %mul3A_202 : i32
      %multiple_of3A_204 = tpu.assume_multiple %mul3A_203, 80 : i32
      "tpu.region"() ({
        %run_scoped3A = tpu.sem_alloc : memref<!tpu.dma_semaphore, #tpu.memory_space<semaphore_mem>>
        %dma_start3A_205 = arith.constant 0 : i32
        %dma_start3A_206 = tpu.memref_slice %arg4[%arg0, %multiple_of3A_204, %dma_start3A_205] : memref<2x10000x128xf32, #tpu.memory_space<hbm>> -> memref<1x80x128xf32, #tpu.memory_space<hbm>>
        %dma_start3A_207 = tpu.memref_squeeze %dma_start3A_206 : memref<1x80x128xf32, #tpu.memory_space<hbm>> -> memref<80x128xf32, #tpu.memory_space<hbm>>
        %dma_start3A_208 = arith.constant 0 : i32
        %dma_start3A_209 = tpu.memref_slice %arg7[%multiple_of3A_204, %dma_start3A_208] : memref<10000x128xf32, #tpu.memory_space<vmem_shared>> -> memref<80x128xf32, #tpu.memory_space<vmem_shared>>
        tpu.enqueue_dma source(%dma_start3A_209 : memref<80x128xf32, #tpu.memory_space<vmem_shared>>) target(%dma_start3A_207 : memref<80x128xf32, #tpu.memory_space<hbm>>) target_semaphore(%run_scoped3A : memref<!tpu.dma_semaphore, #tpu.memory_space<semaphore_mem>>)
        %dma_wait3A = arith.constant 0 : i32
        %dma_wait3A_210 = tpu.memref_slice %arg4[%arg0, %multiple_of3A_204, %dma_wait3A] : memref<2x10000x128xf32, #tpu.memory_space<hbm>> -> memref<1x80x128xf32, #tpu.memory_space<hbm>>
        %dma_wait3A_211 = tpu.memref_squeeze %dma_wait3A_210 : memref<1x80x128xf32, #tpu.memory_space<hbm>> -> memref<80x128xf32, #tpu.memory_space<hbm>>
        %dma_wait3A_212 = arith.constant 0 : i32
        %dma_wait3A_213 = tpu.memref_slice %arg7[%multiple_of3A_204, %dma_wait3A_212] : memref<10000x128xf32, #tpu.memory_space<vmem_shared>> -> memref<80x128xf32, #tpu.memory_space<vmem_shared>>
        tpu.wait_dma2 semaphore(%run_scoped3A : memref<!tpu.dma_semaphore, #tpu.memory_space<semaphore_mem>>) src(%dma_wait3A_213 : memref<80x128xf32, #tpu.memory_space<vmem_shared>>) dst(%dma_wait3A_211 : memref<80x128xf32, #tpu.memory_space<hbm>>)
        tpu.yield
      }) : () -> ()
    } else {
    }
    return
  }
}

module attributes {stable_mosaic.version = 14 : i64} {
  func.func @_edge_body(%arg0: i32, %arg1: memref<16x6400xf32, #tpu.memory_space<vmem>>, %arg2: memref<6400x256xf32, #tpu.memory_space<vmem>>, %arg3: memref<16x16xf32, #tpu.memory_space<vmem>>, %arg4: memref<16x256xf32, #tpu.memory_space<vmem>>, %arg5: memref<2x6400x128xf32, #tpu.memory_space<vmem>>) attributes {dimension_semantics = [#tpu.dimension_semantics<arbitrary>], iteration_bounds = array<i64: 25>, scalar_prefetch = 0 : i64, scratch_operands = 0 : i64, tpu.core_type = #tpu.core_type<tc>, window_params = [{transform_indices = @transform_0, window_bounds = array<i64: 16, 6400>}, {transform_indices = @transform_1, window_bounds = array<i64: 6400, 256>}, {pipeline_mode = #tpu.pipeline_mode<synchronous>, transform_indices = @transform_2, window_bounds = array<i64: 16, 16>}, {pipeline_mode = #tpu.pipeline_mode<synchronous>, transform_indices = @transform_3, window_bounds = array<i64: 16, 256>}, {transform_indices = @transform_4, window_bounds = array<i64: 2, 6400, 128>}]} {
    %get3A = arith.constant 0 : index
    %get3A_0 = arith.constant 0 : index
    %get3A_1 = vector.load %arg1[%get3A, %get3A_0] : memref<16x6400xf32, #tpu.memory_space<vmem>>, vector<16x6400xf32>
    %transpose3A = tpu.transpose %get3A_1, [1, 0] : vector<16x6400xf32> -> vector<6400x16xf32>
    %get3A_2 = arith.constant 0 : index
    %get3A_3 = arith.constant 0 : index
    %get3A_4 = vector.load %arg3[%get3A_2, %get3A_3] : memref<16x16xf32, #tpu.memory_space<vmem>>, vector<16x16xf32>
    %dot_general3A = arith.constant dense<0.000000e+00> : vector<6400x16xf32>
    %dot_general3A_5 = tpu.matmul %transpose3A, %get3A_4, %dot_general3A {dimension_numbers = #tpu.dot_dimension_numbers<[1], [0], [0], [1], [0, 0, 1, 1], [], []>, transpose_lhs_hint = false} : vector<6400x16xf32>, vector<16x16xf32>, vector<6400x16xf32> -> vector<6400x16xf32>
    %get3A_6 = arith.constant 0 : index
    %get3A_7 = arith.constant 0 : index
    %get3A_8 = vector.load %arg4[%get3A_6, %get3A_7] : memref<16x256xf32, #tpu.memory_space<vmem>>, vector<16x256xf32>
    %dot_general3A_9 = arith.constant dense<0.000000e+00> : vector<6400x256xf32>
    %dot_general3A_10 = tpu.matmul %dot_general3A_5, %get3A_8, %dot_general3A_9 {dimension_numbers = #tpu.dot_dimension_numbers<[1], [0], [0], [1], [0, 0, 1, 1], [], []>, transpose_lhs_hint = false} : vector<6400x16xf32>, vector<16x256xf32>, vector<6400x256xf32> -> vector<6400x256xf32>
    %get3A_11 = arith.constant 0 : index
    %get3A_12 = arith.constant 0 : index
    %get3A_13 = vector.load %arg2[%get3A_11, %get3A_12] : memref<6400x256xf32, #tpu.memory_space<vmem>>, vector<6400x256xf32>
    %mul3A = arith.mulf %get3A_13, %dot_general3A_10 : vector<6400x256xf32>
    %slice3A = vector.extract_strided_slice %mul3A {offsets = [0, 0], sizes = [6400, 128], strides = [1, 1]} : vector<6400x256xf32> to vector<6400x128xf32>
    %swap3A = arith.constant 0 : index
    %swap3A_14 = arith.constant 0 : index
    %swap3A_15 = arith.constant 0 : index
    %swap3A_16 = vector.load %arg5[%swap3A, %swap3A_14, %swap3A_15] : memref<2x6400x128xf32, #tpu.memory_space<vmem>>, vector<1x6400x128xf32>
    %swap3A_17 = vector.shape_cast %swap3A_16 : vector<1x6400x128xf32> to vector<6400x128xf32>
    %swap3A_18 = vector.shape_cast %slice3A : vector<6400x128xf32> to vector<1x6400x128xf32>
    tpu.vector_store %arg5[%swap3A, %swap3A_14, %swap3A_15], %swap3A_18 {strides = array<i32>} : memref<2x6400x128xf32, #tpu.memory_space<vmem>>, vector<1x6400x128xf32>,
    %slice3A_19 = vector.extract_strided_slice %mul3A {offsets = [0, 128], sizes = [6400, 128], strides = [1, 1]} : vector<6400x256xf32> to vector<6400x128xf32>
    %swap3A_20 = arith.constant 1 : index
    %swap3A_21 = arith.constant 0 : index
    %swap3A_22 = arith.constant 0 : index
    %swap3A_23 = vector.load %arg5[%swap3A_20, %swap3A_21, %swap3A_22] : memref<2x6400x128xf32, #tpu.memory_space<vmem>>, vector<1x6400x128xf32>
    %swap3A_24 = vector.shape_cast %swap3A_23 : vector<1x6400x128xf32> to vector<6400x128xf32>
    %swap3A_25 = vector.shape_cast %slice3A_19 : vector<6400x128xf32> to vector<1x6400x128xf32>
    tpu.vector_store %arg5[%swap3A_20, %swap3A_21, %swap3A_22], %swap3A_25 {strides = array<i32>} : memref<2x6400x128xf32, #tpu.memory_space<vmem>>, vector<1x6400x128xf32>,
    return
  }
  func.func @transform_0(%arg0: i32) -> (i32, i32) {
    %c0_i32 = arith.constant 0 : i32
    %c0_i32_0 = arith.constant 0 : i32
    return %c0_i32, %arg0 : i32, i32
  }
  func.func @transform_1(%arg0: i32) -> (i32, i32) {
    %c0_i32 = arith.constant 0 : i32
    %c0_i32_0 = arith.constant 0 : i32
    return %arg0, %c0_i32 : i32, i32
  }
  func.func @transform_2(%arg0: i32) -> (i32, i32) {
    %c0_i32 = arith.constant 0 : i32
    %c0_i32_0 = arith.constant 0 : i32
    %c0_i32_1 = arith.constant 0 : i32
    return %c0_i32, %c0_i32_0 : i32, i32
  }
  func.func @transform_3(%arg0: i32) -> (i32, i32) {
    %c0_i32 = arith.constant 0 : i32
    %c0_i32_0 = arith.constant 0 : i32
    %c0_i32_1 = arith.constant 0 : i32
    return %c0_i32, %c0_i32_0 : i32, i32
  }
  func.func @transform_4(%arg0: i32) -> (i32, i32, i32) {
    %c0_i32 = arith.constant 0 : i32
    %c0_i32_0 = arith.constant 0 : i32
    %c0_i32_1 = arith.constant 0 : i32
    return %c0_i32, %arg0, %c0_i32_0 : i32, i32, i32
  }
}

module attributes {stable_mosaic.version = 14 : i64} {
  func.func @_mlp_body(%arg0: i32, %arg1: memref<2x1000x128xf32, #tpu.memory_space<vmem>>, %arg2: memref<256x256xf32, #tpu.memory_space<vmem>>, %arg3: memref<3x2x256x256xf32, #tpu.memory_space<vmem>>, %arg4: memref<256x1xf32, #tpu.memory_space<vmem>>, %arg5: memref<1000x1xf32, #tpu.memory_space<vmem>>) attributes {dimension_semantics = [#tpu.dimension_semantics<arbitrary>], iteration_bounds = array<i64: 10>, scalar_prefetch = 0 : i64, scratch_operands = 0 : i64, tpu.core_type = #tpu.core_type<tc>, window_params = [{transform_indices = @transform_0, window_bounds = array<i64: 2, 1000, 128>}, {pipeline_mode = #tpu.pipeline_mode<synchronous>, transform_indices = @transform_1, window_bounds = array<i64: 256, 256>}, {pipeline_mode = #tpu.pipeline_mode<synchronous>, transform_indices = @transform_2, window_bounds = array<i64: 3, 2, 256, 256>}, {pipeline_mode = #tpu.pipeline_mode<synchronous>, transform_indices = @transform_3, window_bounds = array<i64: 256, 1>}, {transform_indices = @transform_4, window_bounds = array<i64: 1000, 1>}]} {
    %get3A = arith.constant 0 : index
    %get3A_0 = arith.constant 0 : index
    %get3A_1 = arith.constant 0 : index
    %get3A_2 = vector.load %arg1[%get3A, %get3A_0, %get3A_1] : memref<2x1000x128xf32, #tpu.memory_space<vmem>>, vector<1x1000x128xf32>
    %get3A_3 = vector.shape_cast %get3A_2 : vector<1x1000x128xf32> to vector<1000x128xf32>
    %get3A_4 = arith.constant 0 : index
    %get3A_5 = arith.constant 0 : index
    %get3A_6 = vector.load %arg2[%get3A_4, %get3A_5] : memref<256x256xf32, #tpu.memory_space<vmem>>, vector<128x256xf32>
    %dot_general3A = arith.constant dense<0.000000e+00> : vector<1000x256xf32>
    %dot_general3A_7 = tpu.matmul %get3A_3, %get3A_6, %dot_general3A {dimension_numbers = #tpu.dot_dimension_numbers<[1], [0], [0], [1], [0, 0, 1, 1], [], []>, transpose_lhs_hint = false} : vector<1000x128xf32>, vector<128x256xf32>, vector<1000x256xf32> -> vector<1000x256xf32>
    %get3A_8 = arith.constant 1 : index
    %get3A_9 = arith.constant 0 : index
    %get3A_10 = arith.constant 0 : index
    %get3A_11 = vector.load %arg1[%get3A_8, %get3A_9, %get3A_10] : memref<2x1000x128xf32, #tpu.memory_space<vmem>>, vector<1x1000x128xf32>
    %get3A_12 = vector.shape_cast %get3A_11 : vector<1x1000x128xf32> to vector<1000x128xf32>
    %get3A_13 = arith.constant 128 : index
    %get3A_14 = arith.constant 0 : index
    %get3A_15 = vector.load %arg2[%get3A_13, %get3A_14] : memref<256x256xf32, #tpu.memory_space<vmem>>, vector<128x256xf32>
    %dot_general3A_16 = arith.constant dense<0.000000e+00> : vector<1000x256xf32>
    %dot_general3A_17 = tpu.matmul %get3A_12, %get3A_15, %dot_general3A_16 {dimension_numbers = #tpu.dot_dimension_numbers<[1], [0], [0], [1], [0, 0, 1, 1], [], []>, transpose_lhs_hint = false} : vector<1000x128xf32>, vector<128x256xf32>, vector<1000x256xf32> -> vector<1000x256xf32>
    %add3A = arith.addf %dot_general3A_7, %dot_general3A_17 : vector<1000x256xf32>
    %neg3A = arith.constant 0.000000e+00 : f32
    %neg3A_18 = vector.broadcast %neg3A : f32 to vector<1000x256xf32>
    %neg3A_19 = arith.subf %neg3A_18, %add3A : vector<1000x256xf32>
    %exp3A = math.exp %neg3A_19 : vector<1000x256xf32>
    %add3A_20 = arith.constant 1.000000e+00 : f32
    %add3A_21 = vector.broadcast %add3A_20 : f32 to vector<1000x256xf32>
    %add3A_22 = arith.addf %add3A_21, %exp3A : vector<1000x256xf32>
    %div3A = arith.divf %add3A, %add3A_22 : vector<1000x256xf32>
    %get3A_23 = arith.constant 0 : index
    %get3A_24 = arith.constant 0 : index
    %get3A_25 = arith.constant 0 : index
    %get3A_26 = arith.constant 0 : index
    %get3A_27 = vector.load %arg3[%get3A_23, %get3A_24, %get3A_25, %get3A_26] : memref<3x2x256x256xf32, #tpu.memory_space<vmem>>, vector<1x1x256x256xf32>
    %get3A_28 = vector.shape_cast %get3A_27 : vector<1x1x256x256xf32> to vector<256x256xf32>
    %dot_general3A_29 = arith.constant dense<0.000000e+00> : vector<1000x256xf32>
    %dot_general3A_30 = tpu.matmul %div3A, %get3A_28, %dot_general3A_29 {dimension_numbers = #tpu.dot_dimension_numbers<[1], [0], [0], [1], [0, 0, 1, 1], [], []>, transpose_lhs_hint = false} : vector<1000x256xf32>, vector<256x256xf32>, vector<1000x256xf32> -> vector<1000x256xf32>
    %neg3A_31 = arith.constant 0.000000e+00 : f32
    %neg3A_32 = vector.broadcast %neg3A_31 : f32 to vector<1000x256xf32>
    %neg3A_33 = arith.subf %neg3A_32, %dot_general3A_30 : vector<1000x256xf32>
    %exp3A_34 = math.exp %neg3A_33 : vector<1000x256xf32>
    %add3A_35 = arith.constant 1.000000e+00 : f32
    %add3A_36 = vector.broadcast %add3A_35 : f32 to vector<1000x256xf32>
    %add3A_37 = arith.addf %add3A_36, %exp3A_34 : vector<1000x256xf32>
    %div3A_38 = arith.divf %dot_general3A_30, %add3A_37 : vector<1000x256xf32>
    %get3A_39 = arith.constant 0 : index
    %get3A_40 = arith.constant 1 : index
    %get3A_41 = arith.constant 0 : index
    %get3A_42 = arith.constant 0 : index
    %get3A_43 = vector.load %arg3[%get3A_39, %get3A_40, %get3A_41, %get3A_42] : memref<3x2x256x256xf32, #tpu.memory_space<vmem>>, vector<1x1x256x256xf32>
    %get3A_44 = vector.shape_cast %get3A_43 : vector<1x1x256x256xf32> to vector<256x256xf32>
    %dot_general3A_45 = arith.constant dense<0.000000e+00> : vector<1000x256xf32>
    %dot_general3A_46 = tpu.matmul %div3A_38, %get3A_44, %dot_general3A_45 {dimension_numbers = #tpu.dot_dimension_numbers<[1], [0], [0], [1], [0, 0, 1, 1], [], []>, transpose_lhs_hint = false} : vector<1000x256xf32>, vector<256x256xf32>, vector<1000x256xf32> -> vector<1000x256xf32>
    %neg3A_47 = arith.constant 0.000000e+00 : f32
    %neg3A_48 = vector.broadcast %neg3A_47 : f32 to vector<1000x256xf32>
    %neg3A_49 = arith.subf %neg3A_48, %dot_general3A_46 : vector<1000x256xf32>
    %exp3A_50 = math.exp %neg3A_49 : vector<1000x256xf32>
    %add3A_51 = arith.constant 1.000000e+00 : f32
    %add3A_52 = vector.broadcast %add3A_51 : f32 to vector<1000x256xf32>
    %add3A_53 = arith.addf %add3A_52, %exp3A_50 : vector<1000x256xf32>
    %div3A_54 = arith.divf %dot_general3A_46, %add3A_53 : vector<1000x256xf32>
    %add3A_55 = arith.addf %div3A, %div3A_54 : vector<1000x256xf32>
    %mul3A = arith.constant 0.707106769 : f32
    %mul3A_56 = vector.broadcast %mul3A : f32 to vector<1000x256xf32>
    %mul3A_57 = arith.mulf %add3A_55, %mul3A_56 : vector<1000x256xf32>
    %get3A_58 = arith.constant 1 : index
    %get3A_59 = arith.constant 0 : index
    %get3A_60 = arith.constant 0 : index
    %get3A_61 = arith.constant 0 : index
    %get3A_62 = vector.load %arg3[%get3A_58, %get3A_59, %get3A_60, %get3A_61] : memref<3x2x256x256xf32, #tpu.memory_space<vmem>>, vector<1x1x256x256xf32>
    %get3A_63 = vector.shape_cast %get3A_62 : vector<1x1x256x256xf32> to vector<256x256xf32>
    %dot_general3A_64 = arith.constant dense<0.000000e+00> : vector<1000x256xf32>
    %dot_general3A_65 = tpu.matmul %mul3A_57, %get3A_63, %dot_general3A_64 {dimension_numbers = #tpu.dot_dimension_numbers<[1], [0], [0], [1], [0, 0, 1, 1], [], []>, transpose_lhs_hint = false} : vector<1000x256xf32>, vector<256x256xf32>, vector<1000x256xf32> -> vector<1000x256xf32>
    %neg3A_66 = arith.constant 0.000000e+00 : f32
    %neg3A_67 = vector.broadcast %neg3A_66 : f32 to vector<1000x256xf32>
    %neg3A_68 = arith.subf %neg3A_67, %dot_general3A_65 : vector<1000x256xf32>
    %exp3A_69 = math.exp %neg3A_68 : vector<1000x256xf32>
    %add3A_70 = arith.constant 1.000000e+00 : f32
    %add3A_71 = vector.broadcast %add3A_70 : f32 to vector<1000x256xf32>
    %add3A_72 = arith.addf %add3A_71, %exp3A_69 : vector<1000x256xf32>
    %div3A_73 = arith.divf %dot_general3A_65, %add3A_72 : vector<1000x256xf32>
    %get3A_74 = arith.constant 1 : index
    %get3A_75 = arith.constant 1 : index
    %get3A_76 = arith.constant 0 : index
    %get3A_77 = arith.constant 0 : index
    %get3A_78 = vector.load %arg3[%get3A_74, %get3A_75, %get3A_76, %get3A_77] : memref<3x2x256x256xf32, #tpu.memory_space<vmem>>, vector<1x1x256x256xf32>
    %get3A_79 = vector.shape_cast %get3A_78 : vector<1x1x256x256xf32> to vector<256x256xf32>
    %dot_general3A_80 = arith.constant dense<0.000000e+00> : vector<1000x256xf32>
    %dot_general3A_81 = tpu.matmul %div3A_73, %get3A_79, %dot_general3A_80 {dimension_numbers = #tpu.dot_dimension_numbers<[1], [0], [0], [1], [0, 0, 1, 1], [], []>, transpose_lhs_hint = false} : vector<1000x256xf32>, vector<256x256xf32>, vector<1000x256xf32> -> vector<1000x256xf32>
    %neg3A_82 = arith.constant 0.000000e+00 : f32
    %neg3A_83 = vector.broadcast %neg3A_82 : f32 to vector<1000x256xf32>
    %neg3A_84 = arith.subf %neg3A_83, %dot_general3A_81 : vector<1000x256xf32>
    %exp3A_85 = math.exp %neg3A_84 : vector<1000x256xf32>
    %add3A_86 = arith.constant 1.000000e+00 : f32
    %add3A_87 = vector.broadcast %add3A_86 : f32 to vector<1000x256xf32>
    %add3A_88 = arith.addf %add3A_87, %exp3A_85 : vector<1000x256xf32>
    %div3A_89 = arith.divf %dot_general3A_81, %add3A_88 : vector<1000x256xf32>
    %add3A_90 = arith.addf %mul3A_57, %div3A_89 : vector<1000x256xf32>
    %mul3A_91 = arith.constant 0.707106769 : f32
    %mul3A_92 = vector.broadcast %mul3A_91 : f32 to vector<1000x256xf32>
    %mul3A_93 = arith.mulf %add3A_90, %mul3A_92 : vector<1000x256xf32>
    %get3A_94 = arith.constant 2 : index
    %get3A_95 = arith.constant 0 : index
    %get3A_96 = arith.constant 0 : index
    %get3A_97 = arith.constant 0 : index
    %get3A_98 = vector.load %arg3[%get3A_94, %get3A_95, %get3A_96, %get3A_97] : memref<3x2x256x256xf32, #tpu.memory_space<vmem>>, vector<1x1x256x256xf32>
    %get3A_99 = vector.shape_cast %get3A_98 : vector<1x1x256x256xf32> to vector<256x256xf32>
    %dot_general3A_100 = arith.constant dense<0.000000e+00> : vector<1000x256xf32>
    %dot_general3A_101 = tpu.matmul %mul3A_93, %get3A_99, %dot_general3A_100 {dimension_numbers = #tpu.dot_dimension_numbers<[1], [0], [0], [1], [0, 0, 1, 1], [], []>, transpose_lhs_hint = false} : vector<1000x256xf32>, vector<256x256xf32>, vector<1000x256xf32> -> vector<1000x256xf32>
    %neg3A_102 = arith.constant 0.000000e+00 : f32
    %neg3A_103 = vector.broadcast %neg3A_102 : f32 to vector<1000x256xf32>
    %neg3A_104 = arith.subf %neg3A_103, %dot_general3A_101 : vector<1000x256xf32>
    %exp3A_105 = math.exp %neg3A_104 : vector<1000x256xf32>
    %add3A_106 = arith.constant 1.000000e+00 : f32
    %add3A_107 = vector.broadcast %add3A_106 : f32 to vector<1000x256xf32>
    %add3A_108 = arith.addf %add3A_107, %exp3A_105 : vector<1000x256xf32>
    %div3A_109 = arith.divf %dot_general3A_101, %add3A_108 : vector<1000x256xf32>
    %get3A_110 = arith.constant 2 : index
    %get3A_111 = arith.constant 1 : index
    %get3A_112 = arith.constant 0 : index
    %get3A_113 = arith.constant 0 : index
    %get3A_114 = vector.load %arg3[%get3A_110, %get3A_111, %get3A_112, %get3A_113] : memref<3x2x256x256xf32, #tpu.memory_space<vmem>>, vector<1x1x256x256xf32>
    %get3A_115 = vector.shape_cast %get3A_114 : vector<1x1x256x256xf32> to vector<256x256xf32>
    %dot_general3A_116 = arith.constant dense<0.000000e+00> : vector<1000x256xf32>
    %dot_general3A_117 = tpu.matmul %div3A_109, %get3A_115, %dot_general3A_116 {dimension_numbers = #tpu.dot_dimension_numbers<[1], [0], [0], [1], [0, 0, 1, 1], [], []>, transpose_lhs_hint = false} : vector<1000x256xf32>, vector<256x256xf32>, vector<1000x256xf32> -> vector<1000x256xf32>
    %neg3A_118 = arith.constant 0.000000e+00 : f32
    %neg3A_119 = vector.broadcast %neg3A_118 : f32 to vector<1000x256xf32>
    %neg3A_120 = arith.subf %neg3A_119, %dot_general3A_117 : vector<1000x256xf32>
    %exp3A_121 = math.exp %neg3A_120 : vector<1000x256xf32>
    %add3A_122 = arith.constant 1.000000e+00 : f32
    %add3A_123 = vector.broadcast %add3A_122 : f32 to vector<1000x256xf32>
    %add3A_124 = arith.addf %add3A_123, %exp3A_121 : vector<1000x256xf32>
    %div3A_125 = arith.divf %dot_general3A_117, %add3A_124 : vector<1000x256xf32>
    %add3A_126 = arith.addf %mul3A_93, %div3A_125 : vector<1000x256xf32>
    %mul3A_127 = arith.constant 0.707106769 : f32
    %mul3A_128 = vector.broadcast %mul3A_127 : f32 to vector<1000x256xf32>
    %mul3A_129 = arith.mulf %add3A_126, %mul3A_128 : vector<1000x256xf32>
    %get3A_130 = arith.constant 0 : index
    %get3A_131 = arith.constant 0 : index
    %get3A_132 = vector.load %arg4[%get3A_130, %get3A_131] : memref<256x1xf32, #tpu.memory_space<vmem>>, vector<256x1xf32>
    %dot_general3A_133 = arith.constant dense<0.000000e+00> : vector<1000x1xf32>
    %dot_general3A_134 = tpu.matmul %mul3A_129, %get3A_132, %dot_general3A_133 {dimension_numbers = #tpu.dot_dimension_numbers<[1], [0], [0], [1], [0, 0, 1, 1], [], []>, transpose_lhs_hint = false} : vector<1000x256xf32>, vector<256x1xf32>, vector<1000x1xf32> -> vector<1000x1xf32>
    %swap3A = arith.constant 0 : index
    %swap3A_135 = arith.constant 0 : index
    %swap3A_136 = vector.load %arg5[%swap3A, %swap3A_135] : memref<1000x1xf32, #tpu.memory_space<vmem>>, vector<1000x1xf32>
    tpu.vector_store %arg5[%swap3A, %swap3A_135], %dot_general3A_134 {strides = array<i32>} : memref<1000x1xf32, #tpu.memory_space<vmem>>, vector<1000x1xf32>,
    return
  }
  func.func @transform_0(%arg0: i32) -> (i32, i32, i32) {
    %c0_i32 = arith.constant 0 : i32
    %c0_i32_0 = arith.constant 0 : i32
    %c0_i32_1 = arith.constant 0 : i32
    return %c0_i32, %arg0, %c0_i32_0 : i32, i32, i32
  }
  func.func @transform_1(%arg0: i32) -> (i32, i32) {
    %c0_i32 = arith.constant 0 : i32
    %c0_i32_0 = arith.constant 0 : i32
    %c0_i32_1 = arith.constant 0 : i32
    return %c0_i32, %c0_i32_0 : i32, i32
  }
  func.func @transform_2(%arg0: i32) -> (i32, i32, i32, i32) {
    %c0_i32 = arith.constant 0 : i32
    %c0_i32_0 = arith.constant 0 : i32
    %c0_i32_1 = arith.constant 0 : i32
    %c0_i32_2 = arith.constant 0 : i32
    %c0_i32_3 = arith.constant 0 : i32
    return %c0_i32, %c0_i32_0, %c0_i32_1, %c0_i32_2 : i32, i32, i32, i32
  }
  func.func @transform_3(%arg0: i32) -> (i32, i32) {
    %c0_i32 = arith.constant 0 : i32
    %c0_i32_0 = arith.constant 0 : i32
    %c0_i32_1 = arith.constant 0 : i32
    return %c0_i32, %c0_i32_0 : i32, i32
  }
  func.func @transform_4(%arg0: i32) -> (i32, i32) {
    %c0_i32 = arith.constant 0 : i32
    %c0_i32_0 = arith.constant 0 : i32
    return %arg0, %c0_i32 : i32, i32
  }
}

</mosaic_0001>

<sc_bundles>
// kernel: kernel.5.cloned.1.call-start
scs
__scs_entry_jumppad:
0x0: {  	(pc) =	sbr.rel $0x88, $3  }
0x1: {  	(tag) =	ssettag $0x0;
	lr =	simm.s32 $0x1  }
0x2: {  	[smem:$0x3F98] =	sst lr;
	_ =	strace $0xD0000000  }
0x3: {  	_ = 	snop  }
0x4: {  	_ = 	snop  }
0x5: {  	_ = 	snop  }
0x6: {  	_ = 	snop  }
0x7: {  	_ = 	snop  }
__scs_overlays_trampoline_lowered:
0x8: {  	[smem:$0x3FA7] =	sst s0  }
0x9: {  	[smem:$0x3FA8] =	sst s1  }
0xa: {  	[smem:$0x3FA9] =	sst s2  }
0xb: {  	[smem:$0x3FAA] =	sst s3  }
0xc: {  	[smem:$0x3FAB] =	sst s4  }
0xd: {  	[smem:$0x3FAC] =	sst s5  }
0xe: {  	[smem:$0x3FAD] =	sst s6  }
0xf: {  	[smem:$0x3FAE] =	sst s7  }
0x10: {  	[smem:$0x3FAF] =	sst s8  }
0x11: {  	[smem:$0x3FB0] =	sst s9;
	s0 =	simm.s32 @!p0 $0x0  }
0x12: {  	s1 =	sld [smem:$0x3F96];
	s0 =	simm.s32 @p0 $0x1  }
0x13: {  	[smem:$0x3FB1] =	sst s0;
	s0 =	simm.s32 @!p1 $0x0  }
0x14: {  	s2 =	sld [smem:$0x3F95];
	s0 =	simm.s32 @p1 $0x1  }
0x15: {  	[smem:$0x3FB2] =	sst s0;
	s0 =	simm.s32 @!p2 $0x0  }
0x16: {  	s3 =	sld [smem:$0x3FDB];
	s0 =	simm.s32 @p2 $0x1  }
0x17: {  	s4 =	simm.s32 $0x1BF5;
	[smem:$0x3FB4] =	sst s0  }
0x18: {  	s0 =	sld [smem:$0x3F97];
	_ =	swait.ge [sflag:s4], $0x0  }
0x19: {  	s7 =	sld [smem:$0x3F98]  }
0x1a: {  	s8 =	sadd.s32 $0xFFFFE003, lr  }
0x1b: {  	s9 =	sadd.s32 $0xFFFFFEF7, lr;
	s5 =	simm.s32 $0xFFFFFFFF;
	p2 =	slt.u32 s8, $0xFFFFF086  }
0x1c: {  	p1 =	slt.u32 s9, $0xF7A;
	s5 =	simm.s32 @!p2 $0x0  }
0x1d: {  	s5 =	simm.s32 @p1 $0x1;
	p0 =	seq.s32 s7, s2  }
0x1e: {  	s7 =	smul.u32 @!p0 $0xF7A, s2;
	p2 =	seq.s32 @!p0 s5, $0x0  }
0x1f: {  	s9 =	smul.u32 $0xF7A, s1;
	s8 =	simm.s32 @!p0 $0x1BF5;
	p2 =	por !p2, p0  }
0x20: {  	[sflag:s8] =	ssyncset.s32 @!p0 $0xFFFFF086;
	s6 =	sadd.s32 @!p0 s3, s7;
	s7 =	simm.s32 @!p0 $0x108  }
0x21: {  	s3 =	sadd.s32 s3, s9;
	s6 =	sadd.s32 @!p0 $0x88, s6;
	s7 =	simm.s32 @p2 $0x1082  }
0x22: {  	[simem:s7], [sflag:s8] =	dma.local @!p0 [hbm:s6], $0xF7A  }
0x23: {  	s9 =	sor.u32 $0xD0000000, s2;
	s6 =	simm.s32 $0x108;
	_ =	swait.ge @!p0 [sflag:s8], $0x0  }
0x24: {  	s3 =	sadd.s32 $0x88, s3;
	s6 =	simm.s32 @!p1 $0x1082;
	[sflag:s4] =	ssyncset.s32 $0xFFFFF086  }
0x25: {  	[simem:s6], [sflag:s4] =	dma.local [hbm:s3], $0xF7A  }
0x26: {  	[smem:$0x3F98] =	sst s1;
	(tag) =	ssettag s2;
	_ =	strace s9  }
0x27: {  	s1 =	sld [smem:$0x3FA8]  }
0x28: {  	s2 =	sld [smem:$0x3FA9]  }
0x29: {  	s4 =	sld [smem:$0x3FAB]  }
0x2a: {  	p0 =	seq.s32 s5, $0x0;
	s5 =	sld [smem:$0x3FAC]  }
0x2b: {  	s6 =	sld [smem:$0x3FAD]  }
0x2c: {  	s7 =	sld [smem:$0x3FAE]  }
0x2d: {  	s3 =	simm.s32 $0x108;
	s8 =	sld [smem:$0x3FAF]  }
0x2e: {  	s3 =	simm.s32 @!p0 $0x1082;
	s9 =	sld [smem:$0x3FB0]  }
0x2f: {  	lr =	sadd.s32 s0, s3;
	s0 =	sld [smem:$0x3FA7]  }
0x30: {  	s3 =	sld [smem:$0x3FAA]  }
0x31: {  	[smem:$0x3FB3] =	sst s10  }
0x32: {  	s10 =	sld [smem:$0x3FB1];
	_ =	sdelay $0x3  }
0x33: {  	p0 =	seq.s32 s10, $0x1;
	s10 =	sld [smem:$0x3FB3];
	_ =	sdelay $0x3  }
0x34: {  	[smem:$0x3FB3] =	sst s10  }
0x35: {  	s10 =	sld [smem:$0x3FB2];
	_ =	sdelay $0x3  }
0x36: {  	p1 =	seq.s32 s10, $0x1;
	s10 =	sld [smem:$0x3FB3];
	_ =	sdelay $0x3  }
0x37: {  	[smem:$0x3FB3] =	sst s10  }
0x38: {  	s10 =	sld [smem:$0x3FB4]  }
0x39: {  	_ = 	snop;
	(pc) =	sbr.ind lr, $3  }
0x3a: {  	_ = 	snop  }
0x3b: {  	_ = 	snop  }
0x3c: {  	p2 =	seq.s32 s10, $0x1;
	s10 =	sld [smem:$0x3FB3]  }
0x3d: {  	_ =	shalt  }
0x3e: {  	_ =	shalt  }
0x3f: {  	_ =	shalt  }
0x40: {  	_ =	shalt  }
0x41: {  	_ =	shalt  }
0x42: {  	_ =	shalt  }
0x43: {  	_ =	shalt  }
0x44: {  	_ =	shalt  }
0x45: {  	_ =	shalt  }
0x46: {  	_ =	shalt  }
0x47: {  	_ =	shalt  }
0x48: {  	_ =	shalt  }
0x49: {  	_ =	shalt  }
0x4a: {  	_ =	shalt  }
0x4b: {  	_ =	shalt  }
0x4c: {  	_ =	shalt  }
0x4d: {  	_ =	shalt  }
0x4e: {  	_ =	shalt  }
0x4f: {  	_ =	shalt  }
0x50: {  	_ =	shalt  }
0x51: {  	_ =	shalt  }
0x52: {  	_ =	shalt  }
0x53: {  	_ =	shalt  }
0x54: {  	_ =	shalt  }
0x55: {  	_ =	shalt  }
0x56: {  	_ =	shalt  }
0x57: {  	_ =	shalt  }
0x58: {  	_ =	shalt  }
0x59: {  	_ =	shalt  }
0x5a: {  	_ =	shalt  }
0x5b: {  	_ =	shalt  }
0x5c: {  	_ =	shalt  }
0x5d: {  	_ =	shalt  }
0x5e: {  	_ =	shalt  }
0x5f: {  	_ =	shalt  }
0x60: {  	_ =	shalt  }
0x61: {  	_ =	shalt  }
0x62: {  	_ =	shalt  }
0x63: {  	_ =	shalt  }
0x64: {  	_ =	shalt  }
0x65: {  	_ =	shalt  }
0x66: {  	_ =	shalt  }
0x67: {  	_ =	shalt  }
0x68: {  	_ =	shalt  }
0x69: {  	_ =	shalt  }
0x6a: {  	_ =	shalt  }
0x6b: {  	_ =	shalt  }
0x6c: {  	_ =	shalt  }
0x6d: {  	_ =	shalt  }
0x6e: {  	_ =	shalt  }
0x6f: {  	_ =	shalt  }
0x70: {  	_ =	shalt  }
0x71: {  	_ =	shalt  }
0x72: {  	_ =	shalt  }
0x73: {  	_ =	shalt  }
0x74: {  	_ =	shalt  }
0x75: {  	_ =	shalt  }
0x76: {  	_ =	shalt  }
0x77: {  	_ =	shalt  }
0x78: {  	_ =	shalt  }
0x79: {  	_ =	shalt  }
0x7a: {  	_ =	shalt  }
0x7b: {  	_ =	shalt  }
0x7c: {  	_ =	shalt  }
0x7d: {  	_ =	shalt  }
0x7e: {  	_ =	shalt  }
0x7f: {  	_ =	shalt  }
0x80: {  	_ =	shalt  }
0x81: {  	_ =	shalt  }
0x82: {  	_ =	shalt  }
0x83: {  	_ =	shalt  }
0x84: {  	_ =	shalt  }
0x85: {  	_ =	shalt  }
0x86: {  	_ =	shalt  }
0x87: {  	_ =	shalt  }
.Lfunc_end0:
.L_simem_size_0:
called_computation_lowered:
.L_overlay_start_0:
0x88: {  	s2 =	sld [smem:$0x3FD9]  }
0x89: {  	s3 =	sld [smem:$0x3FFE];
	_ =	sdelay $0x1  }
0x8a: {  	s1 =	srdreg.scid  }
0x8b: {  	s0 =	sand.u32 $0x1, s1  }
0x8c: {  	s16 =	sshll.u32 s0, $0xA;
	s2 =	sadd.s32 s3, s2  }
0x8d: {  	s2 =	sadd.s32 s2, s16  }
0x8e: {  	[smem:$0x3FBF] =	sst s2  }
0x8f: {  	_ = 	snop  }
0x90: {  	(tm) =	ssettm $0x1  }
0x91: {  	s17 =	sld [smem:$0x3FFB];
	_ =	sdelay $0x3  }
0x92: {  	_ =	strace s17  }
0x93: {  	s2 =	sld [smem:$0x3FFC];
	_ =	sdelay $0x3  }
0x94: {  	_ =	strace s2  }
0x95: {  	s2 =	sld [smem:$0x3FFD];
	_ =	sdelay $0x3  }
0x96: {  	_ =	strace s2  }
0x97: {  	_ =	strace $0x8FFFFFFF  }
0x98: {  	s18 =	sld [smem:$0x3FDB];
	_ =	sdelay $0x1  }
0x99: {  	s19 =	simm.s32 $_scs_section_size  }
0x9a: {  	s4 =	simm.s32 $_size__tile_overlayer_lowered;
	s5 =	simm.s32 $_tile_overlayer_lowered  }
0x9b: {  	s22 =	simm.s32 $0x1BFF;
	s21 =	sshll.u32 s5, $0x1;
	s2 =	sadd.s32 s19, s18  }
0x9c: {  	s6 =	simm.s32 $0x0;
	s20 =	sshll.u32 s4, $0x1;
	s4 =	sadd.s32 s21, s2  }
0x9d: {  	[timem:s6], [sflag:s22] =	dma.local [hbm:s4], s20  }
0x9e: {  	_ =	swait.ge [sflag:s22], s20  }
0x9f: {  	s3 =	ssub.s32 $0x0, s20;
	[sflag:s22] =	ssyncset.done $0x0  }
0xa0: {  	[sflag:s22] =	ssyncadd.s32 s3;
	_ =	sdelay $0x1  }
0xa1: {  	s23 =	simm.s32 $0x1B8B  }
0xa2: {  	_ =	swait.ge [sflag:s23], $0x1  }
0xa3: {  	[sflag:s23] =	ssyncset.done $0x0  }
0xa4: {  	s25 =	simm.s32 $0x1B8E;
	s24 =	sld [smem:$0x3FFE];
	[sflag:s23] =	ssyncadd.s32 $0xFFFFFFFF  }
0xa5: {  	s26 =	simm.s32 $execute0_lowered;
	[smem:$0x3FD2] =	sst s25  }
0xa6: {  	s4 =	sshll.u32 s26, $0x1;
	_ =	strace $0x80000046;
	[dreg:$0x1] =	wrdreg $0xFFFFFFFF  }
0xa7: {  	s28 =	simm.s32 $_size_execute0_lowered;
	s2 =	sadd.s32 s2, s4;
	[dreg:$0x0] =	wrdreg $0x0  }
0xa8: {  	s4 =	sshll.u32 s28, $0x1;
	[dreg:$0x2] =	wrdreg s2  }
0xa9: {  	[dreg:$0x3] =	wrdreg s4  }
0xaa: {  	[dreg:$0x4] =	wrdreg $0xC0  }
0xab: {  	_ =	task [dreg:s6], $0x5FFFF  }
0xac: {  	[dreg:$0x1] =	wrdreg $0xFFFFFFFF  }
0xad: {  	[dreg:$0x0] =	wrdreg $0x60  }
0xae: {  	[dreg:$0x2] =	wrdreg s24  }
0xaf: {  	[dreg:$0x3] =	wrdreg $0xB8000  }
0xb0: {  	[dreg:$0x4] =	wrdreg $0x9  }
0xb1: {  	_ =	task.clear_ibuf [dreg:s6], $0x5FFFF;
	_ =	strace $0x90000046  }
0xb2: {  	s29 =	simm.s32 $0x9;
	_ =	strace $0x80000048  }
0xb3: {  	_ =	swait.ge [sflag:s29], $0x1  }
0xb4: {  	[sflag:s29] =	ssyncadd.s32 $0xFFFFFFFF  }
0xb5: {  	_ =	strace $0x90000048  }
0xb6: {  	_ =	sfence  }
0xb7: {  	s30 =	sld [smem:$0x0];
	_ =	sdelay $0x2  }
0xb8: {  	s31 =	sshll.u32 s1, $0xD;
	s1 =	sshrl.u32 s1, $0x2  }
0xb9: {  	s3 =	sand.u32 $0x4000, s31;
	s1 =	sadd.s32 s1, s30  }
0xba: {  	s0 =	sor.u32 s3, s0;
	s1 =	sshll.u32 s1, $0x11  }
0xbb: {  	s0 =	sor.u32 s1, s0  }
0xbc: {  	s0 =	sadd.s32 $0x8F2B, s0  }
0xbd: {  	[sflag:s0] =	ssyncadd.remote.s32 $0x1  }
0xbe: {  	_ =	sfence.sel $0xFFFF  }
0xbf: {  	[dreg:$0x0] =	wrdreg $0xFFFFFFFF;
	(pc) =	sbr.abs _section_cstart, $3  }
0xc0: {  	[dreg:$0x1] =	wrdreg $0xFFFFFFFF  }
0xc1: {  	_ =	task.clear_ibuf [dreg:s6], $0x2FFFF;
	_ =	strace $0x9FFFFFFF  }
0xc2: {  	(tm) =	ssettm $0x7FFFFFFF  }
0xc3: {  	_ =	shalt  }
tec
execute0_lowered:
.L_overlay_start_1:
0x0: {  	(tag) =	ssettag $0x1  }
0x1: {  	s28 =	stileid.u32  }
0x2: {  	s1 =	smul.u32 $0xA000, s28  }
0x3: {  	s8 =	sor.u32 $0x10, s28;
	s24 =	smul.u32 $0x138800, s28  }
0x4: {  	s9 =	sor.u32 $0x20, s28;
	s5 =	smul.u32 $0xA000, s8  }
0x5: {  	s10 =	sor.u32 $0x30, s28;
	s7 =	smul.u32 $0xA000, s9  }
0x6: {  	s12 =	sor.u32 $0x40, s28;
	s11 =	smul.u32 $0xA000, s10  }
0x7: {  	s0 =	rddreg [dreg:$0x0];
	s15 =	sor.u32 $0x50, s28;
	s14 =	smul.u32 $0xA000, s12  }
0x8: {  	s2 =	rddreg [dreg:$0x1];
	s17 =	sor.u32 $0x60, s28;
	s16 =	smul.u32 $0xA000, s15  }
0x9: {  	s13 =	srdreg.scid;
	s20 =	sor.u32 $0x70, s28;
	s19 =	smul.u32 $0xA000, s17  }
0xa: {  	s3 =	simm.s32 $0x0;
	s13 =	sand.u32 $0x1, s13;
	s22 =	smul.u32 $0xA000, s20  }
0xb: {  	[smem:$0x7FF] =	sst s3;
	s4 =	sadd.s32 $0x8E00, s0;
	s23 =	smul.u32 $0x1388000, s13  }
0xc: {  	s6 =	sshll.u32 s28, $0xB;
	p0 =	sgt.u32 s28, $0xC;
	s25 =	smul.u32 $0x2800, s10  }
0xd: {  	_ =	strace $0x80000047;
	s18 =	ssub.s32 $0x2, s13;
	s15 =	smul.u32 $0x2800, s15  }
0xe: {  	s21 =	sadd.s32 s6, s0;
	s0 =	sadd.s32 $0x4EAE00, s0;
	s17 =	smul.u32 $0x2800, s17  }
0xf: {  	s20 =	smul.u32 $0x2800, s20;
	s26 =	sshrl.u32 s18, $0x1;
	s1 =	sshrl.u32 s1, $0x2  }
0x10: {  	s30 =	sshrl.u32 s5, $0x2;
	s5 =	sadd.s32 s1, s2;
	s1 =	smul.u32 $0x138800, s13  }
0x11: {  	s21 =	sadd.s32 $0xE00, s21;
	s13 =	sadd.s32 s24, s23;
	s23 =	smul.u32 $0x2800, s28  }
0x12: {  	s18 =	ssub.s32 s18, s26;
	s7 =	sshrl.u32 s7, $0x2;
	s24 =	smul.u32 $0x2800, s8  }
0x13: {  	s11 =	sshrl.u32 s11, $0x2;
	s31 =	sshrl.u32 s14, $0x2;
	s14 =	smul.u32 $0x2800, s9  }
0x14: {  	s16 =	sshrl.u32 s16, $0x2;
	s26 =	sshrl.u32 s19, $0x2;
	[dreg:$0x3] =	wrdreg s21  }
0x15: {  	s6 =	sadd.s32 s30, s2;
	s7 =	sadd.s32 s7, s2;
	s8 =	sadd.s32 s11, s2  }
0x16: {  	s9 =	sadd.s32 s31, s2;
	s10 =	sadd.s32 s16, s2;
	s31 =	sshrl.u32 s22, $0x2  }
0x17: {  	s30 =	smul.u32 $0x2800, s12;
	s11 =	sadd.s32 s26, s2;
	s12 =	sadd.s32 s31, s2  }
0x18: {  	s22 =	sadd.s32 s23, s1;
	s23 =	sadd.s32 s1, s24;
	s14 =	sadd.s32 s1, s14  }
0x19: {  	s16 =	sadd.s32 s1, s25;
	s15 =	sadd.s32 s1, s15;
	s17 =	sadd.s32 s1, s17  }
0x1a: {  	s24 =	sshrl.u32 s13, $0x3;
	s19 =	sadd.s32 s1, s30;
	s1 =	sadd.s32 s1, s20  }
0x1b: {  	s21 =	sshrl.u32 s22, $0x3;
	s22 =	sshrl.u32 s23, $0x3;
	s14 =	sshrl.u32 s14, $0x3  }
0x1c: {  	s26 =	sshrl.u32 s16, $0x3;
	s16 =	sshrl.u32 s15, $0x3;
	s17 =	sshrl.u32 s17, $0x3  }
0x1d: {  	s20 =	sadd.s32 $0xA000, s13;
	s15 =	simm.s32 $0x1;
	s21 =	sadd.s32 s0, s21  }
0x1e: {  	s25 =	sadd.s32 s0, s22;
	s14 =	sadd.s32 s0, s14;
	[dreg:$0x4] =	wrdreg s21  }
0x1f: {  	s30 =	sshrl.u32 s19, $0x3;
	s1 =	sshrl.u32 s1, $0x3;
	[dreg:$0x5] =	wrdreg s25  }
0x20: {  	s19 =	sadd.s32 $0xC800, s13;
	[dreg:$0x6] =	wrdreg s14;
	s14 =	sadd.s32 s0, s26  }
0x21: {  	s22 =	sadd.s32 s4, s24;
	s31 =	sadd.s32 s0, s30;
	[dreg:$0x7] =	wrdreg s14  }
0x22: {  	s23 =	sshrl.u32 s20, $0x3;
	s21 =	smax.u32 s18, $0x1;
	[dreg:$0x8] =	wrdreg s31  }
0x23: {  	s25 =	sadd.s32 s23, s4;
	s24 =	sadd.s32 $0x500, s22;
	[dreg:$0xc] =	wrdreg s21  }
0x24: {  	s26 =	sadd.s32 $0x7800, s13;
	s28 =	sadd.s32 $0xA00, s22;
	[dreg:$0xd] =	wrdreg s24  }
0x25: {  	s30 =	sadd.s32 $0x26700, s22;
	s13 =	simm.s32 $0x6800;
	[dreg:$0xe] =	wrdreg s28  }
0x26: {  	s18 =	simm.s32 $0x3;
	s14 =	sadd.s32 s0, s16;
	[dreg:$0xf] =	wrdreg s30  }
0x27: {  	s31 =	sadd.s32 $0x26C00, s22;
	s16 =	simm.s32 $0x50;
	[dreg:$0x9] =	wrdreg s14  }
0x28: {  	s14 =	sadd.s32 s0, s17;
	s0 =	sadd.s32 s0, s1;
	[dreg:$0x10] =	wrdreg s31  }
0x29: {  	s1 =	simm.s32 $0x4;
	s17 =	simm.s32 $0x2;
	[dreg:$0xa] =	wrdreg s14  }
0x2a: {  	[dreg:$0xb] =	wrdreg s0;
	s0 =	sshrl.u32 s19, $0x3;
	s14 =	simm.s32 $0x9000  }
0x2b: {  	v0 =	vimm.f32 $0.0e+00;
	s19 =	simm.s32 $0x0;
	s29 =	sadd.s32 s0, s4;
	s0 =	simm.s32 $0x4000  }
.LBB2_1:
0x2c: {  	s20 =	simm.s32 $0x0;
	s21 =	simm.s32 $0x200  }
.LBB2_2:
0x2d: {  	p1 =	sne.s32 s21, $0x9E00;
	[tilespmem:s20+$0x4070] =	vst v0  }
0x2e: {  	[tilespmem:s20+$0x4000] =	vst v0  }
0x2f: {  	[tilespmem:s20+$0x4010] =	vst v0  }
.Ltmp0:
0x30: {  	[tilespmem:s20+$0x4020] =	vst v0;
	(pc) =	sbr.rel @p1 .LBB2_2-.Ltmp0, $4  }
0x31: {  	[tilespmem:s20+$0x4030] =	vst v0  }
0x32: {  	[tilespmem:s20+$0x4040] =	vst v0  }
0x33: {  	[tilespmem:s20+$0x4050] =	vst v0  }
0x34: {  	[tilespmem:s20+$0x4060] =	vst v0;
	s20 =	sshra.s32 s21, $0x2;
	s21 =	sadd.s32 $0x200, s21  }
0x35: {  	[tilespmem:s20+$0x4070] =	vst v0  }
0x36: {  	[tilespmem:s20+$0x4000] =	vst v0  }
0x37: {  	[tilespmem:s20+$0x4010] =	vst v0  }
0x38: {  	[tilespmem:s20+$0x4020] =	vst v0  }
0x39: {  	[tilespmem:s20+$0x4030] =	vst v0  }
0x3a: {  	[tilespmem:s20+$0x4040] =	vst v0  }
0x3b: {  	[tilespmem:s20+$0x4050] =	vst v0  }
0x3c: {  	[tilespmem:s20+$0x4060] =	vst v0  }
0x3d: {  	[spmem:s5] =	stream.linear.scatter [tilespmem:s0], [sflag:$0x4], $0x2800, $0x38;
	[tilespmem:$0x1F080] =	vst v63  }
0x3e: {  	_ =	swait.ge [sflag:s1], $0x2800  }
0x3f: {  	[sflag:s1] =	ssyncset.done $0x0  }
0x40: {  	[sflag:s1] =	ssyncadd.s32 $0xFFFFD800  }
0x41: {  	[spmem:s6] =	stream.linear.scatter [tilespmem:s0], [sflag:$0x4], $0x2800, $0x38;
	[tilespmem:$0x1F080] =	vst v63  }
0x42: {  	_ =	swait.ge [sflag:s1], $0x2800  }
0x43: {  	[sflag:s1] =	ssyncset.done $0x0  }
0x44: {  	[sflag:s1] =	ssyncadd.s32 $0xFFFFD800  }
0x45: {  	[spmem:s7] =	stream.linear.scatter [tilespmem:s0], [sflag:$0x4], $0x2800, $0x38;
	[tilespmem:$0x1F080] =	vst v63  }
0x46: {  	_ =	swait.ge [sflag:s1], $0x2800  }
0x47: {  	[sflag:s1] =	ssyncset.done $0x0  }
0x48: {  	[sflag:s1] =	ssyncadd.s32 $0xFFFFD800  }
0x49: {  	[spmem:s8] =	stream.linear.scatter [tilespmem:s0], [sflag:$0x4], $0x2800, $0x38;
	[tilespmem:$0x1F080] =	vst v63  }
0x4a: {  	_ =	swait.ge [sflag:s1], $0x2800  }
0x4b: {  	[sflag:s1] =	ssyncset.done $0x0  }
0x4c: {  	[sflag:s1] =	ssyncadd.s32 $0xFFFFD800  }
0x4d: {  	[spmem:s9] =	stream.linear.scatter [tilespmem:s0], [sflag:$0x4], $0x2800, $0x38;
	[tilespmem:$0x1F080] =	vst v63  }
0x4e: {  	_ =	swait.ge [sflag:s1], $0x2800  }
0x4f: {  	[sflag:s1] =	ssyncset.done $0x0  }
0x50: {  	[sflag:s1] =	ssyncadd.s32 $0xFFFFD800  }
0x51: {  	[spmem:s10] =	stream.linear.scatter [tilespmem:s0], [sflag:$0x4], $0x2800, $0x38;
	[tilespmem:$0x1F080] =	vst v63  }
0x52: {  	_ =	swait.ge [sflag:s1], $0x2800  }
0x53: {  	[sflag:s1] =	ssyncset.done $0x0  }
0x54: {  	[sflag:s1] =	ssyncadd.s32 $0xFFFFD800  }
0x55: {  	[spmem:s11] =	stream.linear.scatter [tilespmem:s0], [sflag:$0x4], $0x2800, $0x38;
	[tilespmem:$0x1F080] =	vst v63  }
0x56: {  	_ =	swait.ge [sflag:s1], $0x2800  }
0x57: {  	[sflag:s1] =	ssyncset.done $0x0  }
0x58: {  	s20 =	simm.s32 @!p0 $0x4000;
	[sflag:s1] =	ssyncadd.s32 $0xFFFFD800  }
0x59: {  	[spmem:s12] =	stream.linear.scatter @!p0 [tilespmem:s20], [sflag:$0x4], $0x2800, $0x38;
	[tilespmem:$0x1F080] =	vst v63  }
0x5a: {  	s20 =	simm.s32 @!p0 $0x4  }
0x5b: {  	_ =	swait.ge @!p0 [sflag:s20], $0x2800  }
0x5c: {  	[sflag:s20] =	ssyncset.done @!p0 $0x0  }
0x5d: {  	[sflag:s20] =	ssyncadd.s32 @!p0 $0xFFFFD800  }
0x5e: {  	[bflag:$0x0] =	sbarrier.arrive $0xFFFF  }
0x5f: {  	s24 =	simm.s32 $0x0;
	s21 =	rddreg [dreg:$0x3]  }
0x60: {  	[tilespmem:s24], [sflag:$0x4] =	stream.linear.gather [hbm4b:s21+s24], $0x3E80, $0x38;
	[tilespmem:$0x1F080] =	vst v63  }
0x61: {  	_ =	swait.ge [sflag:s1], $0x3E80  }
0x62: {  	[sflag:s1] =	ssyncset.done $0x0  }
0x63: {  	[sflag:s1] =	ssyncadd.s32 $0xFFFFC180  }
0x64: {  	[tilespmem:s0], [sflag:$0x1] =	stream.linear.gather [hbm4b:s22+s24], $0x2800, $0x38;
	[tilespmem:$0x1F080] =	vst v63  }
0x65: {  	s30 =	rddreg [dreg:$0xd]  }
0x66: {  	[tilespmem:s13], [sflag:$0x2] =	stream.linear.gather [hbm4b:s30+s24], $0x2800, $0x38;
	[tilespmem:$0x1F080] =	vst v63  }
0x67: {  	s31 =	rddreg [dreg:$0xe]  }
0x68: {  	[tilespmem:s14], [sflag:$0x3] =	stream.linear.gather [hbm4b:s31+s24], $0x2800, $0x38;
	[tilespmem:$0x1F080] =	vst v63  }
0x69: {  	_ =	swait.ge [sflag:s15], $0x2800  }
0x6a: {  	[sflag:s15] =	ssyncset.done $0x0  }
0x6b: {  	s23 =	simm.s32 $0x0;
	[sflag:s15] =	ssyncadd.s32 $0xFFFFD800  }
0x6c: {  	[spmem:s2] =	stream.indirect.scatter.add.f32 [tilespmem:s0], [sflag:$0x4], $0x80, s23, s16, $0xb8;
	[tilespmem:$0x1F080] =	vst v63  }
0x6d: {  	_ =	swait.ge [sflag:s1], $0x2800  }
0x6e: {  	s24 =	sshrl.u32 s26, $0x3;
	[sflag:s1] =	ssyncset.done $0x0  }
0x6f: {  	s20 =	sadd.s32 s4, s24;
	[sflag:s1] =	ssyncadd.s32 $0xFFFFD800  }
0x70: {  	[tilespmem:s0], [sflag:$0x1] =	stream.linear.gather [hbm4b:s20+s3], $0x2800, $0x38;
	[tilespmem:$0x1F080] =	vst v63  }
0x71: {  	_ =	swait.ge [sflag:s17], $0x2800  }
0x72: {  	[sflag:s17] =	ssyncset.done $0x0  }
0x73: {  	s30 =	simm.s32 $0x80;
	[sflag:s17] =	ssyncadd.s32 $0xFFFFD800  }
0x74: {  	[spmem:s2] =	stream.indirect.scatter.add.f32 [tilespmem:s13], [sflag:$0x4], $0x80, s30, s16, $0xb8;
	[tilespmem:$0x1F080] =	vst v63  }
0x75: {  	_ =	swait.ge [sflag:s1], $0x2800  }
0x76: {  	[sflag:s1] =	ssyncset.done $0x0  }
0x77: {  	[sflag:s1] =	ssyncadd.s32 $0xFFFFD800  }
0x78: {  	[tilespmem:s13], [sflag:$0x2] =	stream.linear.gather [hbm4b:s25+s3], $0x2800, $0x38;
	[tilespmem:$0x1F080] =	vst v63  }
0x79: {  	_ =	swait.ge [sflag:s18], $0x2800  }
0x7a: {  	[sflag:s18] =	ssyncset.done $0x0  }
0x7b: {  	s31 =	simm.s32 $0x100;
	[sflag:s18] =	ssyncadd.s32 $0xFFFFD800  }
0x7c: {  	[spmem:s2] =	stream.indirect.scatter.add.f32 [tilespmem:s14], [sflag:$0x4], $0x80, s31, s16, $0xb8;
	[tilespmem:$0x1F080] =	vst v63  }
0x7d: {  	s28 =	sadd.s32 $0xF00, s25;
	_ =	swait.ge [sflag:s1], $0x2800  }
0x7e: {  	s21 =	sadd.s32 $0x7800, s26;
	s24 =	smov.u32 s29;
	[sflag:s1] =	ssyncset.done $0x0  }
0x7f: {  	s23 =	sadd.s32 $0xF00, s29;
	s20 =	simm.s32 $0x600;
	[sflag:s1] =	ssyncadd.s32 $0xFFFFD800  }
.LBB2_4:
0x80: {  	[tilespmem:s14], [sflag:$0x3] =	stream.linear.gather [hbm4b:s24+s3], $0x2800, $0x38;
	[tilespmem:$0x1F080] =	vst v63  }
0x81: {  	s30 =	smov.u32 s20;
	s20 =	sadd.s32 $0x600, s20;
	_ =	swait.ge [sflag:s15], $0x2800  }
0x82: {  	s24 =	smov.u32 s23;
	p1 =	sne.s32 s20, $0xF000;
	[sflag:s15] =	ssyncset.done $0x0  }
0x83: {  	s30 =	sshra.s32 s30, $0x2;
	[sflag:s15] =	ssyncadd.s32 $0xFFFFD800  }
0x84: {  	[spmem:s2] =	stream.indirect.scatter.add.f32 [tilespmem:s0], [sflag:$0x4], $0x80, s30, s16, $0xb8;
	[tilespmem:$0x1F080] =	vst v63  }
0x85: {  	_ =	swait.ge [sflag:s1], $0x2800  }
0x86: {  	s31 =	sshrl.u32 s21, $0x3;
	[sflag:s1] =	ssyncset.done $0x0  }
0x87: {  	s31 =	sadd.s32 s4, s31;
	[sflag:s1] =	ssyncadd.s32 $0xFFFFD800  }
0x88: {  	[tilespmem:s0], [sflag:$0x1] =	stream.linear.gather [hbm4b:s31+s3], $0x2800, $0x38;
	[tilespmem:$0x1F080] =	vst v63  }
0x89: {  	_ =	swait.ge [sflag:s17], $0x2800  }
0x8a: {  	[sflag:s17] =	ssyncset.done $0x0  }
0x8b: {  	s31 =	sadd.s32 $0x80, s30;
	[sflag:s17] =	ssyncadd.s32 $0xFFFFD800  }
0x8c: {  	[spmem:s2] =	stream.indirect.scatter.add.f32 [tilespmem:s13], [sflag:$0x4], $0x80, s31, s16, $0xb8;
	[tilespmem:$0x1F080] =	vst v63  }
0x8d: {  	_ =	swait.ge [sflag:s1], $0x2800  }
0x8e: {  	[sflag:s1] =	ssyncset.done $0x0  }
0x8f: {  	[sflag:s1] =	ssyncadd.s32 $0xFFFFD800  }
0x90: {  	[tilespmem:s13], [sflag:$0x2] =	stream.linear.gather [hbm4b:s28+s3], $0x2800, $0x38;
	[tilespmem:$0x1F080] =	vst v63  }
0x91: {  	_ =	swait.ge [sflag:s18], $0x2800  }
0x92: {  	[sflag:s18] =	ssyncset.done $0x0  }
.Ltmp1:
0x93: {  	s30 =	sadd.s32 $0x100, s30;
	[sflag:s18] =	ssyncadd.s32 $0xFFFFD800;
	(pc) =	sbr.rel @p1 .LBB2_4-.Ltmp1, $4  }
0x94: {  	[spmem:s2] =	stream.indirect.scatter.add.f32 [tilespmem:s14], [sflag:$0x4], $0x80, s30, s16, $0xb8;
	[tilespmem:$0x1F080] =	vst v63  }
0x95: {  	_ =	swait.ge [sflag:s1], $0x2800  }
0x96: {  	s21 =	sadd.s32 $0x7800, s21;
	[sflag:s1] =	ssyncset.done $0x0  }
0x97: {  	s23 =	sadd.s32 $0xF00, s23;
	s28 =	sadd.s32 $0xF00, s28;
	[sflag:s1] =	ssyncadd.s32 $0xFFFFD800  }
0x98: {  	[tilespmem:s14], [sflag:$0x3] =	stream.linear.gather [hbm4b:s24+s3], $0x2800, $0x38;
	[tilespmem:$0x1F080] =	vst v63  }
0x99: {  	_ =	swait.ge [sflag:s15], $0x2800  }
0x9a: {  	[sflag:s15] =	ssyncset.done $0x0  }
0x9b: {  	s20 =	sshra.s32 s20, $0x2;
	[sflag:s15] =	ssyncadd.s32 $0xFFFFD800  }
0x9c: {  	[spmem:s2] =	stream.indirect.scatter.add.f32 [tilespmem:s0], [sflag:$0x4], $0x80, s20, s16, $0xb8;
	[tilespmem:$0x1F080] =	vst v63  }
0x9d: {  	_ =	swait.ge [sflag:s1], $0x2800  }
0x9e: {  	[sflag:s1] =	ssyncset.done $0x0  }
0x9f: {  	s21 =	rddreg [dreg:$0xf];
	[sflag:s1] =	ssyncadd.s32 $0xFFFFD800  }
0xa0: {  	[tilespmem:s0], [sflag:$0x1] =	stream.linear.gather [hbm4b:s21+s3], $0x2800, $0x38;
	[tilespmem:$0x1F080] =	vst v63  }
0xa1: {  	_ =	swait.ge [sflag:s17], $0x2800  }
0xa2: {  	[sflag:s17] =	ssyncset.done $0x0  }
0xa3: {  	s31 =	sadd.s32 $0x80, s20;
	[sflag:s17] =	ssyncadd.s32 $0xFFFFD800  }
0xa4: {  	[spmem:s2] =	stream.indirect.scatter.add.f32 [tilespmem:s13], [sflag:$0x4], $0x80, s31, s16, $0xb8;
	[tilespmem:$0x1F080] =	vst v63  }
0xa5: {  	_ =	swait.ge [sflag:s1], $0x2800  }
0xa6: {  	[sflag:s1] =	ssyncset.done $0x0  }
0xa7: {  	s23 =	rddreg [dreg:$0x10];
	[sflag:s1] =	ssyncadd.s32 $0xFFFFD800  }
0xa8: {  	[tilespmem:s13], [sflag:$0x2] =	stream.linear.gather [hbm4b:s23+s3], $0x2800, $0x38;
	[tilespmem:$0x1F080] =	vst v63  }
0xa9: {  	_ =	swait.ge [sflag:s18], $0x2800  }
0xaa: {  	[sflag:s18] =	ssyncset.done $0x0  }
0xab: {  	s20 =	sadd.s32 $0x100, s20;
	[sflag:s18] =	ssyncadd.s32 $0xFFFFD800  }
0xac: {  	[spmem:s2] =	stream.indirect.scatter.add.f32 [tilespmem:s14], [sflag:$0x4], $0x80, s20, s16, $0xb8;
	[tilespmem:$0x1F080] =	vst v63  }
0xad: {  	_ =	swait.ge [sflag:s1], $0x2800  }
0xae: {  	[sflag:s1] =	ssyncset.done $0x0  }
0xaf: {  	[sflag:s1] =	ssyncadd.s32 $0xFFFFD800  }
0xb0: {  	_ =	swait.ge [sflag:s15], $0x2800  }
0xb1: {  	[sflag:s15] =	ssyncset.done $0x0  }
0xb2: {  	s24 =	simm.s32 $0x3D80;
	[sflag:s15] =	ssyncadd.s32 $0xFFFFD800  }
0xb3: {  	[spmem:s2] =	stream.indirect.scatter.add.f32 [tilespmem:s0], [sflag:$0x4], $0x80, s24, s16, $0xb8;
	[tilespmem:$0x1F080] =	vst v63  }
0xb4: {  	_ =	swait.ge [sflag:s1], $0x2800  }
0xb5: {  	[sflag:s1] =	ssyncset.done $0x0  }
0xb6: {  	[sflag:s1] =	ssyncadd.s32 $0xFFFFD800  }
0xb7: {  	_ =	swait.ge [sflag:s17], $0x2800  }
0xb8: {  	[sflag:s17] =	ssyncset.done $0x0  }
0xb9: {  	s28 =	simm.s32 $0x3E00;
	[sflag:s17] =	ssyncadd.s32 $0xFFFFD800  }
0xba: {  	[spmem:s2] =	stream.indirect.scatter.add.f32 [tilespmem:s13], [sflag:$0x4], $0x80, s28, s16, $0xb8;
	[tilespmem:$0x1F080] =	vst v63  }
0xbb: {  	_ =	swait.ge [sflag:s1], $0x2800  }
0xbc: {  	[sflag:s1] =	ssyncset.done $0x0  }
0xbd: {  	s30 =	stileid.u32;
	[sflag:s1] =	ssyncadd.s32 $0xFFFFD800  }
0xbe: {  	s20 =	sshll.u32 s30, $0x6;
	[bflag:$0x0] =	sbarrier.arrive $0xFFFF  }
0xbf: {  	s31 =	sshrl.u32 s5, $0x3;
	s20 =	sor.u32 $0x1C04, s20;
	s23 =	rddreg [dreg:$0x4]  }
0xc0: {  	[hbm:s23], [sflag:s20] =	dma.local [spmem:s31], $0x500  }
0xc1: {  	_ =	swait.ge [sflag:s1], $0x500  }
0xc2: {  	[sflag:s1] =	ssyncset.done $0x0  }
0xc3: {  	s24 =	sshrl.u32 s6, $0x3;
	s28 =	rddreg [dreg:$0x5];
	[sflag:s1] =	ssyncadd.s32 $0xFFFFFB00  }
0xc4: {  	[hbm:s28], [sflag:s20] =	dma.local [spmem:s24], $0x500  }
0xc5: {  	_ =	swait.ge [sflag:s1], $0x500  }
0xc6: {  	[sflag:s1] =	ssyncset.done $0x0  }
0xc7: {  	s30 =	sshrl.u32 s7, $0x3;
	s31 =	rddreg [dreg:$0x6];
	[sflag:s1] =	ssyncadd.s32 $0xFFFFFB00  }
0xc8: {  	[hbm:s31], [sflag:s20] =	dma.local [spmem:s30], $0x500  }
0xc9: {  	_ =	swait.ge [sflag:s1], $0x500  }
0xca: {  	[sflag:s1] =	ssyncset.done $0x0  }
0xcb: {  	s24 =	sshrl.u32 s8, $0x3;
	s28 =	rddreg [dreg:$0x7];
	[sflag:s1] =	ssyncadd.s32 $0xFFFFFB00  }
0xcc: {  	[hbm:s28], [sflag:s20] =	dma.local [spmem:s24], $0x500  }
0xcd: {  	_ =	swait.ge [sflag:s1], $0x500  }
0xce: {  	[sflag:s1] =	ssyncset.done $0x0  }
0xcf: {  	s30 =	sshrl.u32 s9, $0x3;
	s31 =	rddreg [dreg:$0x8];
	[sflag:s1] =	ssyncadd.s32 $0xFFFFFB00  }
0xd0: {  	[hbm:s31], [sflag:s20] =	dma.local [spmem:s30], $0x500  }
0xd1: {  	_ =	swait.ge [sflag:s1], $0x500  }
0xd2: {  	[sflag:s1] =	ssyncset.done $0x0  }
0xd3: {  	s23 =	sshrl.u32 s10, $0x3;
	s24 =	rddreg [dreg:$0x9];
	[sflag:s1] =	ssyncadd.s32 $0xFFFFFB00  }
0xd4: {  	[hbm:s24], [sflag:s20] =	dma.local [spmem:s23], $0x500  }
0xd5: {  	_ =	swait.ge [sflag:s1], $0x500  }
0xd6: {  	[sflag:s1] =	ssyncset.done $0x0  }
0xd7: {  	s28 =	sshrl.u32 s11, $0x3;
	s30 =	rddreg [dreg:$0xa];
	[sflag:s1] =	ssyncadd.s32 $0xFFFFFB00  }
0xd8: {  	[hbm:s30], [sflag:s20] =	dma.local [spmem:s28], $0x500  }
0xd9: {  	_ =	swait.ge [sflag:s1], $0x500  }
0xda: {  	[sflag:s1] =	ssyncset.done $0x0  }
0xdb: {  	s21 =	sshrl.u32 @!p0 s12, $0x3;
	s23 =	rddreg [dreg:$0xb];
	[sflag:s1] =	ssyncadd.s32 $0xFFFFFB00  }
0xdc: {  	[hbm:s23], [sflag:s20] =	dma.local @!p0 [spmem:s21], $0x500  }
0xdd: {  	s20 =	simm.s32 @!p0 $0x4  }
0xde: {  	_ =	swait.ge @!p0 [sflag:s20], $0x500  }
0xdf: {  	s19 =	sadd.s32 $0x1, s19;
	s31 =	rddreg [dreg:$0xc]  }
0xe0: {  	p1 =	sne.s32 s19, s31  }
.Ltmp2:
0xe1: {  	_ = 	snop;
	(pc) =	sbr.rel @p1 .LBB2_1-.Ltmp2, $3  }
0xe2: {  	_ =	sdelay $0x1  }
0xe3: {  	[sflag:s20] =	ssyncset.done @!p0 $0x0  }
0xe4: {  	[sflag:s20] =	ssyncadd.s32 @!p0 $0xFFFFFB00  }
0xe5: {  	_ =	sfence.sel $0x180000  }
0xe6: {  	[bflag:$0x0] =	sbarrier.arrive $0xFFFF  }
0xe7: {  	_ =	strace $0x90000047  }
0xe8: {  	s0 =	stileid.u32;
	[bflag:$0x2] =	sbarrier.arrive $0xFFFF  }
0xe9: {  	p0 =	sne.s32 s0, $0x0;
	s0 =	rddreg [dreg:$0x2]  }
0xea: {  	s0 =	sadd.s32 @!p0 $0x100000, s0  }
0xeb: {  	[sflag:s0] =	ssyncadd.tile.s32 @!p0 $0x1;
	_ =	shalt  }
.Lfunc_end2:
_tile_overlayer_lowered:
.L_overlay_start_2:
0xec: {  	(tag) =	ssettag $0x2  }
0xed: {  	s0 =	rddreg [dreg:$0x0];
	s2 =	stileid.u32  }
0xee: {  	s1 =	rddreg [dreg:$0x1];
	p0 =	sne.s32 s2, $0x0  }
0xef: {  	s3 =	rddreg [dreg:$0x2];
	[bflag:$0x3] =	sbarrier.arrive $0xFFFF;
	s2 =	simm.s32 @!p0 $0x1C04  }
0xf0: {  	[timem:s3], [sflag:s2] =	dma.local @!p0 [hbm:s0], s1  }
0xf1: {  	s0 =	simm.s32 @!p0 $0x4  }
0xf2: {  	_ =	swait.ge @!p0 [sflag:s0], s1  }
0xf3: {  	s1 =	ssub.s32 @!p0 $0x0, s1;
	[sflag:s0] =	ssyncset.done @!p0 $0x0  }
0xf4: {  	[sflag:s0] =	ssyncadd.s32 @!p0 s1  }
0xf5: {  	[bflag:$0x3] =	sbarrier.arrive $0xFFFF  }
0xf6: {  	_ =	shalt  }

</sc_bundles>
